<compile_context>
chip_gen: v7x
topology: tpu7x:2x2x1
jax: 0.10.2.dev20260603
libtpu: 0.0.44.dev20260713+nightly
codegen_flags: <defaults>
</compile_context>

<pallas_src>
import functools

import jax
import jax.numpy as jnp
from jax import lax
from jax.experimental import pallas as pl
from jax.experimental.pallas import tpu as pltpu
from jax.experimental.pallas import tpu_sc as plsc

_B, _SEQ, _N, _E = 32, 12, 325, 2600
_GCN = 64
_HID = 512
_G = _B * _SEQ
_NP = 336
_NW = 32
_GPW = _G // _NW
_NFLAT = _GPW * _NP
_XPW = _GPW * _N
_XBUF = _XPW + 4
_EIPW = _GPW * 2 * _E
_EDPW = _GPW * _E
_EFULL = _E // 16



def _sc_body(x_hbm, ei_hbm, ed_hbm, a_hbm, d_hbm,
             xv, eiv, edv, av, dv):
    c = lax.axis_index("c")
    s = lax.axis_index("s")
    wid = s * 2 + c
    xoff = (wid % 2) * 4
    xstart = pl.multiple_of(wid * _XPW - xoff, 8)
    pltpu.sync_copy(x_hbm.at[pl.ds(xstart, _XBUF)], xv)
    pltpu.sync_copy(ei_hbm.at[pl.ds(wid * _EIPW, _EIPW)],
                    eiv.at[pl.ds(0, _EIPW)])
    pltpu.sync_copy(ed_hbm.at[pl.ds(wid * _EDPW, _EDPW)],
                    edv.at[pl.ds(0, _EDPW)])

    zeros16 = jnp.zeros((16,), jnp.float32)

    def zero(i, _):
        av[pl.ds(i * 16, 16)] = zeros16
        dv[pl.ds(i * 16, 16)] = zeros16
        return 0

    lax.fori_loop(0, _NFLAT // 16, zero, 0)

    tail_mask = lax.iota(jnp.int32, 16) < (_E - _EFULL * 16)

    def graph(g, _):
        base = g * _NP
        xbase = xoff + g * _N
        soff = g * 2 * _E
        doff = soff + _E
        woff = g * _E

        def chunk(cc, _):
            sidx = eiv[pl.ds(soff + cc * 16, 16)] + xbase
            didx = eiv[pl.ds(doff + cc * 16, 16)] + base
            w = edv[pl.ds(woff + cc * 16, 16)]
            xg = plsc.load_gather(xv, [sidx])
            plsc.addupdate_scatter(av, [didx], xg * w)
            plsc.addupdate_scatter(dv, [didx], w)
            return 0

        lax.fori_loop(0, _EFULL, chunk, 0)

        te = _EFULL * 16
        sidx = eiv[pl.ds(soff + te, 16)] + xbase
        didx = eiv[pl.ds(doff + te, 16)] + base
        w = edv[pl.ds(woff + te, 16)]
        xg = plsc.load_gather(xv, [sidx], mask=tail_mask)
        plsc.addupdate_scatter(av, [didx], xg * w, mask=tail_mask)
        plsc.addupdate_scatter(dv, [didx], w, mask=tail_mask)
        return 0

    lax.fori_loop(0, _GPW, graph, 0)

    def out_copy(g, _):
        off = (g * _B + wid) * _NP
        pltpu.sync_copy(av.at[pl.ds(g * _NP, _NP)], a_hbm.at[pl.ds(off, _NP)])
        pltpu.sync_copy(dv.at[pl.ds(g * _NP, _NP)], d_hbm.at[pl.ds(off, _NP)])
        return 0

    lax.fori_loop(0, _GPW, out_copy, 0)


def _sc_segment_sums(xf, eif, edf):
    mesh = plsc.VectorSubcoreMesh(core_axis_name="c", subcore_axis_name="s")
    f32 = jnp.float32
    out = jax.ShapeDtypeStruct((_G * _NP,), f32)
    fn = pl.kernel(
        _sc_body,
        out_type=[out, out],
        mesh=mesh,
        scratch_types=[
            pltpu.VMEM((_XBUF,), f32),
            pltpu.VMEM((_EIPW + 16,), jnp.int32),
            pltpu.VMEM((_EDPW + 16,), f32),
            pltpu.VMEM((_NFLAT,), f32),
            pltpu.VMEM((_NFLAT,), f32),
        ],
        compiler_params=pltpu.CompilerParams(needs_layout_passes=False),
    )
    return fn(xf, eif, edf)



_KIN = _N * _GCN
_NBLK = 128
_KB = 1600


def _tc1_body(a_ref, d_ref, wgt_ref, bgt_ref, w_ref, bih0_ref, z_ref, g_ref):
    n = pl.program_id(0)

    @pl.when(n == 0)
    def _():
        ad = jnp.concatenate([a_ref[...], d_ref[...]], axis=0)
        for kb in range(_KIN // _KB):
            rows = lax.broadcasted_iota(jnp.int32, (_N, _KB), 0)
            cols = lax.broadcasted_iota(jnp.int32, (_N, _KB), 1)
            ek = (rows == kb * (_KB // _GCN) + cols // _GCN)
            ek = ek.astype(jnp.float32)
            adb = lax.dot_general(ad, ek, (((1,), (0,)), ((), ())),
                                  preferred_element_type=jnp.float32)
            sl = pl.ds(kb * _KB, _KB)
            wgv = wgt_ref[0, sl]
            bgv = bgt_ref[0, sl]
            pre = adb[:_G, :] * wgv[None, :] + adb[_G:, :] * bgv[None, :]
            g_ref[:, sl] = jnp.tanh(jnp.maximum(pre, 0.0)) \
                .astype(jnp.bfloat16)

    wb = w_ref[...].astype(jnp.bfloat16)
    z_ref[...] = lax.dot_general(
        g_ref[...], wb, (((1,), (1,)), ((), ())),
        preferred_element_type=jnp.float32) + bih0_ref[...]


def _tc1(a, d, wgt, bgt, w, bih0):
    return pl.pallas_call(
        _tc1_body,
        grid=(4 * _HID // _NBLK,),
        in_specs=[
            pl.BlockSpec((_G, _N), lambda n: (0, 0)),
            pl.BlockSpec((_G, _N), lambda n: (0, 0)),
            pl.BlockSpec((1, _KIN), lambda n: (0, 0)),
            pl.BlockSpec((1, _KIN), lambda n: (0, 0)),
            pl.BlockSpec((_NBLK, _KIN), lambda n: (n, 0)),
            pl.BlockSpec((1, _NBLK), lambda n: (0, n)),
        ],
        out_specs=pl.BlockSpec((_G, _NBLK), lambda n: (0, n)),
        out_shape=jax.ShapeDtypeStruct((_G, 4 * _HID), jnp.float32),
        scratch_shapes=[pltpu.VMEM((_G, _KIN), jnp.bfloat16)],
        compiler_params=pltpu.CompilerParams(
            dimension_semantics=("arbitrary",),
            vmem_limit_bytes=100 * 1024 * 1024),
    )(a, d, wgt, bgt, w, bih0)



def _dot_t(x, w):
    return lax.dot_general(
        x, w, (((1,), (1,)), ((), ())), preferred_element_type=jnp.float32)


def _tc2_body(z_ref, whh0_ref, bhh0_ref, wih1_ref, whh1_ref, b1_ref,
              wfc_ref, bfc_ref, out_ref, h0_ref, c0_ref, h1_ref, c1_ref):
    zero_h = jnp.zeros((_B, _HID), jnp.float32)
    h0_ref[...] = zero_h
    c0_ref[...] = zero_h
    h1_ref[...] = zero_h
    c1_ref[...] = zero_h

    def step(t, _):
        x_t = z_ref[pl.ds(t * _B, _B), :]
        g0 = x_t + _dot_t(h0_ref[...], whh0_ref[...]) + bhh0_ref[...]
        i0 = jax.nn.sigmoid(g0[:, :_HID])
        f0 = jax.nn.sigmoid(g0[:, _HID:2 * _HID])
        gg0 = jnp.tanh(g0[:, 2 * _HID:3 * _HID])
        o0 = jax.nn.sigmoid(g0[:, 3 * _HID:])
        c0 = f0 * c0_ref[...] + i0 * gg0
        h0 = o0 * jnp.tanh(c0)
        c0_ref[...] = c0
        h0_ref[...] = h0

        g1 = _dot_t(h0, wih1_ref[...]) + _dot_t(h1_ref[...], whh1_ref[...]) \
            + b1_ref[...]
        i1 = jax.nn.sigmoid(g1[:, :_HID])
        f1 = jax.nn.sigmoid(g1[:, _HID:2 * _HID])
        gg1 = jnp.tanh(g1[:, 2 * _HID:3 * _HID])
        o1 = jax.nn.sigmoid(g1[:, 3 * _HID:])
        c1 = f1 * c1_ref[...] + i1 * gg1
        c1_ref[...] = c1
        h1_ref[...] = o1 * jnp.tanh(c1)
        return 0

    lax.fori_loop(0, _SEQ, step, 0)

    h = jnp.tanh(h1_ref[...])
    out_ref[...] = _dot_t(h, wfc_ref[...]) + bfc_ref[...]


def _tc2(z0s, whh0, bhh0, wih1, whh1, b1, wfc, bfc):
    nout = wfc.shape[0]
    return pl.pallas_call(
        _tc2_body,
        out_shape=jax.ShapeDtypeStruct((_B, nout), jnp.float32),
        scratch_shapes=[pltpu.VMEM((_B, _HID), jnp.float32)] * 4,
    )(z0s, whh0, bhh0, wih1, whh1, b1, wfc, bfc)



def kernel(x_sequences, edge_indices_sequences, edge_distances_sequences,
           Wg, bg, Wih0, Whh0, bih0, bhh0, Wih1, Whh1, bih1, bhh1, Wfc, bfc):
    f32 = jnp.float32

    af, df = _sc_segment_sums(x_sequences.reshape(-1),
                              edge_indices_sequences.reshape(-1),
                              edge_distances_sequences.reshape(-1))
    a = af.reshape(_G, _NP)[:, :_N]
    d = df.reshape(_G, _NP)[:, :_N]

    wgt = jnp.tile(Wg.reshape(_GCN), _N).reshape(1, _KIN)
    bgt = jnp.tile(bg, _N).reshape(1, _KIN)
    z0 = _tc1(a, d, wgt, bgt, Wih0, bih0.reshape(1, 4 * _HID))

    b1 = (bih1 + bhh1).reshape(1, 4 * _HID)
    out = _tc2(z0, Whh0, bhh0.reshape(1, 4 * _HID), Wih1, Whh1, b1,
               Wfc, bfc.reshape(1, -1))
    return out.reshape(_B, _SEQ, _N).astype(f32)

# --- scband reference (transcript-rebuilt; emitter-appended) ---
"""Pipeline reference for scband-gcn-lstm-model-47699906789559 (READ-ONLY COPY).

The authoritative reference and input builder live on the scoring server;
editing this copy changes nothing except your own understanding.
"""

import jax, jax.numpy as jnp
import numpy as np

B, SEQ, N_NODES, E = 32, 12, 325, 2600
GCN_OUT, HID, N_STEPS_OUT, N_FEAT = 64, 512, 12, 1
INPUT_SIZE = GCN_OUT * N_NODES


def setup_inputs(seed: int = 0) -> dict:
    key = jax.random.key(seed)
    ks = jax.random.split(key, 12)
    s = 0.02
    inp = {}
    inp['x_sequences'] = jax.random.normal(ks[0], (B, SEQ, N_NODES), dtype=jnp.float32)
    inp['edge_indices_sequences'] = jax.random.randint(ks[1], (B, SEQ, 2, E), 0, N_NODES, dtype=jnp.int32)
    inp['edge_distances_sequences'] = jax.random.uniform(ks[2], (B, SEQ, E), dtype=jnp.float32)
    inp['Wg'] = jax.random.normal(ks[3], (N_FEAT, GCN_OUT), dtype=jnp.float32) * s
    inp['bg'] = jnp.zeros((GCN_OUT,), dtype=jnp.float32)
    inp['Wih0'] = jax.random.normal(ks[4], (4 * HID, INPUT_SIZE), dtype=jnp.float32) * s
    inp['Whh0'] = jax.random.normal(ks[5], (4 * HID, HID), dtype=jnp.float32) * s
    inp['bih0'] = jnp.zeros((4 * HID,), dtype=jnp.float32)
    inp['bhh0'] = jnp.zeros((4 * HID,), dtype=jnp.float32)
    inp['Wih1'] = jax.random.normal(ks[6], (4 * HID, HID), dtype=jnp.float32) * s
    inp['Whh1'] = jax.random.normal(ks[7], (4 * HID, HID), dtype=jnp.float32) * s
    inp['bih1'] = jnp.zeros((4 * HID,), dtype=jnp.float32)
    inp['bhh1'] = jnp.zeros((4 * HID,), dtype=jnp.float32)
    inp['Wfc'] = jax.random.normal(ks[8], (N_STEPS_OUT * N_NODES * N_FEAT, HID), dtype=jnp.float32) * s
    inp['bfc'] = jnp.zeros((N_STEPS_OUT * N_NODES * N_FEAT,), dtype=jnp.float32)
    return inp


def _gcn(x_t, ei, ed, Wg, bg):
    # CustomGCNLayer: linear transform, then edge-weighted scatter-add aggregation, ReLU
    h = x_t @ Wg + bg                      # [N, GCN_OUT]
    msg = h[ei[0]] * ed[:, None]           # gather from src, scale by edge distance
    agg = jnp.zeros_like(h).at[ei[1]].add(msg)  # scatter-add to dst
    return jax.nn.relu(agg)


def _lstm_layer(xs, Wih, Whh, bih, bhh):
    Bsz = xs.shape[0]
    hid = Whh.shape[1]

    def step(carry, x_t):
        h, c = carry
        gates = x_t @ Wih.T + bih + h @ Whh.T + bhh
        i, f, g, o = jnp.split(gates, 4, axis=-1)
        i = jax.nn.sigmoid(i)
        f = jax.nn.sigmoid(f)
        g = jnp.tanh(g)
        o = jax.nn.sigmoid(o)
        c = f * c + i * g
        h = o * jnp.tanh(c)
        return (h, c), h

    h0 = jnp.zeros((Bsz, hid), dtype=xs.dtype)
    c0 = jnp.zeros((Bsz, hid), dtype=xs.dtype)
    _, hs = jax.lax.scan(step, (h0, c0), jnp.swapaxes(xs, 0, 1))
    return jnp.swapaxes(hs, 0, 1)


def reference(x_sequences, edge_indices_sequences, edge_distances_sequences, Wg, bg, Wih0, Whh0, bih0, bhh0, Wih1, Whh1, bih1, bhh1, Wfc, bfc):
    Bsz, S, N = x_sequences.shape
    x_flat = x_sequences.reshape(Bsz * S, N, 1)
    ei_flat = edge_indices_sequences.reshape(Bsz * S, 2, -1)
    ed_flat = edge_distances_sequences.reshape(Bsz * S, -1)
    g = jax.vmap(lambda x, ei, ed: _gcn(x, ei, ed, Wg, bg))(x_flat, ei_flat, ed_flat)  # [B*S, N, GCN_OUT]
    g = jnp.tanh(g.reshape(Bsz, S, N * g.shape[-1]))
    h = _lstm_layer(g, Wih0, Whh0, bih0, bhh0)
    h = _lstm_layer(h, Wih1, Whh1, bih1, bhh1)
    h = jnp.tanh(h)[:, -1, :]
    out = h @ Wfc.T + bfc
    out = out.reshape(Bsz, N_STEPS_OUT, N, N_FEAT)
    return out.squeeze(-1)

if __name__ == "__main__":
    import jax
    _d = setup_inputs()
    print(jax.jit(kernel)(*tuple(_d.values())))

</pallas_src>

<mosaic_0001>
#map = affine_map<(d0, d1) -> (0)>
module attributes {stable_mosaic.version = 14 : i64} {
  func.func @_sc_body(%arg0: i32, %arg1: i32, %arg2: memref<124800xf32, #tpu.memory_space<hbm>>, %arg3: memref<1996800xi32, #tpu.memory_space<hbm>>, %arg4: memref<998400xf32, #tpu.memory_space<hbm>>, %arg5: memref<129024xf32, #tpu.memory_space<hbm>>, %arg6: memref<129024xf32, #tpu.memory_space<hbm>>, %arg7: memref<3904xf32, #tpu.memory_space<vmem>>, %arg8: memref<62416xi32, #tpu.memory_space<vmem>>, %arg9: memref<31216xf32, #tpu.memory_space<vmem>>, %arg10: memref<4032xf32, #tpu.memory_space<vmem>>, %arg11: memref<4032xf32, #tpu.memory_space<vmem>>) attributes {dimension_semantics = [#tpu.dimension_semantics<core_parallel>, #tpu.dimension_semantics<subcore_parallel>], iteration_bounds = array<i64: 2, 16>, scalar_prefetch = 0 : i64, scratch_operands = 5 : i64, tpu.core_type = #tpu.core_type<sc_vector_subcore>, window_params = [{transform_indices = #map}, {transform_indices = #map}, {transform_indices = #map}, {transform_indices = #map}, {transform_indices = #map}]} {
    %mul3A = arith.constant 2 : i32
    %mul3A_0 = arith.muli %arg1, %mul3A : i32
    %add3A = arith.addi %mul3A_0, %arg0 : i32
    %jit3A = arith.constant 2 : i32
    %eq3A = arith.constant 0 : i32
    %eq3A_1 = arith.cmpi eq, %jit3A, %eq3A : i32
    %jit3A_2 = arith.constant 1 : i32
    %select_n3A = arith.select %eq3A_1, %jit3A_2, %jit3A : i32
    %rem3A = arith.remsi %add3A, %select_n3A : i32
    %ne3A = arith.constant 0 : i32
    %ne3A_3 = arith.cmpi ne, %rem3A, %ne3A : i32
    %lt3A = arith.constant 0 : i32
    %lt3A_4 = arith.cmpi slt, %rem3A, %lt3A : i32
    %lt3A_5 = arith.constant 0 : i32
    %lt3A_6 = arith.cmpi slt, %select_n3A, %lt3A_5 : i32
    %ne3A_7 = arith.xori %lt3A_4, %lt3A_6 : i1
    %and3A = arith.andi %ne3A_7, %ne3A_3 : i1
    %add3A_8 = arith.addi %rem3A, %select_n3A : i32
    %select_n3A_9 = arith.select %and3A, %add3A_8, %rem3A : i32
    %mul3A_10 = arith.constant 4 : i32
    %mul3A_11 = arith.muli %select_n3A_9, %mul3A_10 : i32
    %mul3A_12 = arith.constant 3900 : i32
    %mul3A_13 = arith.muli %add3A, %mul3A_12 : i32
    %sub3A = arith.subi %mul3A_13, %mul3A_11 : i32
    %multiple_of3A = tpu.assume_multiple %sub3A, 8 : i32
    "tpu.region"() ({
      %run_scoped3A = tpu.sem_alloc : memref<!tpu.dma_semaphore, #tpu.memory_space<semaphore_mem>>
      %dma_start3A = tpu.memref_slice %arg2[%multiple_of3A] : memref<124800xf32, #tpu.memory_space<hbm>> -> memref<3904xf32, #tpu.memory_space<hbm>>
      %dma_start3A_42 = tpu.memref_slice %arg2[%multiple_of3A] : memref<124800xf32, #tpu.memory_space<hbm>> -> memref<3904xf32, #tpu.memory_space<hbm>>
      tpu.enqueue_dma source(%dma_start3A_42 : memref<3904xf32, #tpu.memory_space<hbm>>) target(%arg7 : memref<3904xf32, #tpu.memory_space<vmem>>) target_semaphore(%run_scoped3A : memref<!tpu.dma_semaphore, #tpu.memory_space<semaphore_mem>>)
      %dma_wait3A = tpu.memref_slice %arg2[%multiple_of3A] : memref<124800xf32, #tpu.memory_space<hbm>> -> memref<3904xf32, #tpu.memory_space<hbm>>
      %dma_wait3A_43 = tpu.memref_slice %arg2[%multiple_of3A] : memref<124800xf32, #tpu.memory_space<hbm>> -> memref<3904xf32, #tpu.memory_space<hbm>>
      tpu.wait_dma2 semaphore(%run_scoped3A : memref<!tpu.dma_semaphore, #tpu.memory_space<semaphore_mem>>) src(%dma_wait3A_43 : memref<3904xf32, #tpu.memory_space<hbm>>) dst(%arg7 : memref<3904xf32, #tpu.memory_space<vmem>>)
      tpu.yield
    }) : () -> ()
    %mul3A_14 = arith.constant 62400 : i32
    %mul3A_15 = arith.muli %add3A, %mul3A_14 : i32
    "tpu.region"() ({
      %run_scoped3A = tpu.sem_alloc : memref<!tpu.dma_semaphore, #tpu.memory_space<semaphore_mem>>
      %dma_start3A = arith.constant 0 : i32
      %dma_start3A_42 = tpu.memref_slice %arg8[%dma_start3A] : memref<62416xi32, #tpu.memory_space<vmem>> -> memref<62400xi32, #tpu.memory_space<vmem>>
      %dma_start3A_43 = tpu.memref_slice %arg3[%mul3A_15] : memref<1996800xi32, #tpu.memory_space<hbm>> -> memref<62400xi32, #tpu.memory_space<hbm>>
      %dma_start3A_44 = arith.constant 0 : i32
      %dma_start3A_45 = tpu.memref_slice %arg8[%dma_start3A_44] : memref<62416xi32, #tpu.memory_space<vmem>> -> memref<62400xi32, #tpu.memory_space<vmem>>
      %dma_start3A_46 = tpu.memref_slice %arg3[%mul3A_15] : memref<1996800xi32, #tpu.memory_space<hbm>> -> memref<62400xi32, #tpu.memory_space<hbm>>
      tpu.enqueue_dma source(%dma_start3A_46 : memref<62400xi32, #tpu.memory_space<hbm>>) target(%dma_start3A_45 : memref<62400xi32, #tpu.memory_space<vmem>>) target_semaphore(%run_scoped3A : memref<!tpu.dma_semaphore, #tpu.memory_space<semaphore_mem>>)
      %dma_wait3A = arith.constant 0 : i32
      %dma_wait3A_47 = tpu.memref_slice %arg8[%dma_wait3A] : memref<62416xi32, #tpu.memory_space<vmem>> -> memref<62400xi32, #tpu.memory_space<vmem>>
      %dma_wait3A_48 = tpu.memref_slice %arg3[%mul3A_15] : memref<1996800xi32, #tpu.memory_space<hbm>> -> memref<62400xi32, #tpu.memory_space<hbm>>
      %dma_wait3A_49 = arith.constant 0 : i32
      %dma_wait3A_50 = tpu.memref_slice %arg8[%dma_wait3A_49] : memref<62416xi32, #tpu.memory_space<vmem>> -> memref<62400xi32, #tpu.memory_space<vmem>>
      %dma_wait3A_51 = tpu.memref_slice %arg3[%mul3A_15] : memref<1996800xi32, #tpu.memory_space<hbm>> -> memref<62400xi32, #tpu.memory_space<hbm>>
      tpu.wait_dma2 semaphore(%run_scoped3A : memref<!tpu.dma_semaphore, #tpu.memory_space<semaphore_mem>>) src(%dma_wait3A_51 : memref<62400xi32, #tpu.memory_space<hbm>>) dst(%dma_wait3A_50 : memref<62400xi32, #tpu.memory_space<vmem>>)
      tpu.yield
    }) : () -> ()
    %mul3A_16 = arith.constant 31200 : i32
    %mul3A_17 = arith.muli %add3A, %mul3A_16 : i32
    "tpu.region"() ({
      %run_scoped3A = tpu.sem_alloc : memref<!tpu.dma_semaphore, #tpu.memory_space<semaphore_mem>>
      %dma_start3A = arith.constant 0 : i32
      %dma_start3A_42 = tpu.memref_slice %arg9[%dma_start3A] : memref<31216xf32, #tpu.memory_space<vmem>> -> memref<31200xf32, #tpu.memory_space<vmem>>
      %dma_start3A_43 = tpu.memref_slice %arg4[%mul3A_17] : memref<998400xf32, #tpu.memory_space<hbm>> -> memref<31200xf32, #tpu.memory_space<hbm>>
      %dma_start3A_44 = arith.constant 0 : i32
      %dma_start3A_45 = tpu.memref_slice %arg9[%dma_start3A_44] : memref<31216xf32, #tpu.memory_space<vmem>> -> memref<31200xf32, #tpu.memory_space<vmem>>
      %dma_start3A_46 = tpu.memref_slice %arg4[%mul3A_17] : memref<998400xf32, #tpu.memory_space<hbm>> -> memref<31200xf32, #tpu.memory_space<hbm>>
      tpu.enqueue_dma source(%dma_start3A_46 : memref<31200xf32, #tpu.memory_space<hbm>>) target(%dma_start3A_45 : memref<31200xf32, #tpu.memory_space<vmem>>) target_semaphore(%run_scoped3A : memref<!tpu.dma_semaphore, #tpu.memory_space<semaphore_mem>>)
      %dma_wait3A = arith.constant 0 : i32
      %dma_wait3A_47 = tpu.memref_slice %arg9[%dma_wait3A] : memref<31216xf32, #tpu.memory_space<vmem>> -> memref<31200xf32, #tpu.memory_space<vmem>>
      %dma_wait3A_48 = tpu.memref_slice %arg4[%mul3A_17] : memref<998400xf32, #tpu.memory_space<hbm>> -> memref<31200xf32, #tpu.memory_space<hbm>>
      %dma_wait3A_49 = arith.constant 0 : i32
      %dma_wait3A_50 = tpu.memref_slice %arg9[%dma_wait3A_49] : memref<31216xf32, #tpu.memory_space<vmem>> -> memref<31200xf32, #tpu.memory_space<vmem>>
      %dma_wait3A_51 = tpu.memref_slice %arg4[%mul3A_17] : memref<998400xf32, #tpu.memory_space<hbm>> -> memref<31200xf32, #tpu.memory_space<hbm>>
      tpu.wait_dma2 semaphore(%run_scoped3A : memref<!tpu.dma_semaphore, #tpu.memory_space<semaphore_mem>>) src(%dma_wait3A_51 : memref<31200xf32, #tpu.memory_space<hbm>>) dst(%dma_wait3A_50 : memref<31200xf32, #tpu.memory_space<vmem>>)
      tpu.yield
    }) : () -> ()
    %broadcast_in_dim3A = arith.constant 0.000000e+00 : f32
    %broadcast_in_dim3A_18 = vector.broadcast %broadcast_in_dim3A : f32 to vector<16xf32>
    %scan3A = arith.constant 0 : i32
    %scan3A_19 = arith.constant 0 : i32
    %scan3A_20 = arith.constant 252 : i32
    %scan3A_21 = arith.addi %scan3A_19, %scan3A_20 : i32
    %scan3A_22 = arith.constant 1 : i32
    %scan3A_23 = scf.for %scan3A_42 = %scan3A_19 to %scan3A_21 step %scan3A_22 iter_args(%scan3A_43 = %scan3A) -> (i32)  : i32 {
      %mul3A_44 = arith.constant 16 : i32
      %mul3A_45 = arith.muli %scan3A_42, %mul3A_44 : i32
      %swap3A = arith.index_cast %mul3A_45 : i32 to index
      %swap3A_46 = tpu.vector_load %arg10[%swap3A] {strides = array<i32>} : memref<4032xf32, #tpu.memory_space<vmem>>, vector<16xf32>,
      tpu.vector_store %arg10[%swap3A], %broadcast_in_dim3A_18 {strides = array<i32>} : memref<4032xf32, #tpu.memory_space<vmem>>, vector<16xf32>,
      %mul3A_47 = arith.constant 16 : i32
      %mul3A_48 = arith.muli %scan3A_42, %mul3A_47 : i32
      %swap3A_49 = arith.index_cast %mul3A_48 : i32 to index
      %swap3A_50 = tpu.vector_load %arg11[%swap3A_49] {strides = array<i32>} : memref<4032xf32, #tpu.memory_space<vmem>>, vector<16xf32>,
      tpu.vector_store %arg11[%swap3A_49], %broadcast_in_dim3A_18 {strides = array<i32>} : memref<4032xf32, #tpu.memory_space<vmem>>, vector<16xf32>,
      %scan3A_51 = arith.constant 0 : i32
      scf.yield %scan3A_51 : i32
    }
    %scan3A_24 = arith.constant 252 : i32
    %iota3A = tpu.iota {dimensions = array<i32: 0>} : vector<16xi32>
    %lt3A_25 = arith.constant 8 : i32
    %lt3A_26 = vector.broadcast %lt3A_25 : i32 to vector<16xi32>
    %lt3A_27 = arith.cmpi slt, %iota3A, %lt3A_26 : vector<16xi32>
    %scan3A_28 = arith.constant 0 : i32
    %scan3A_29 = arith.constant 0 : i32
    %scan3A_30 = arith.constant 12 : i32
    %scan3A_31 = arith.addi %scan3A_29, %scan3A_30 : i32
    %scan3A_32 = arith.constant 1 : i32
    %scan3A_33 = scf.for %scan3A_42 = %scan3A_29 to %scan3A_31 step %scan3A_32 iter_args(%scan3A_43 = %scan3A_28) -> (i32)  : i32 {
      %mul3A_44 = arith.constant 336 : i32
      %mul3A_45 = arith.muli %scan3A_42, %mul3A_44 : i32
      %mul3A_46 = arith.constant 325 : i32
      %mul3A_47 = arith.muli %scan3A_42, %mul3A_46 : i32
      %add3A_48 = arith.addi %mul3A_11, %mul3A_47 : i32
      %mul3A_49 = arith.constant 2 : i32
      %mul3A_50 = arith.muli %scan3A_42, %mul3A_49 : i32
      %mul3A_51 = arith.constant 2600 : i32
      %mul3A_52 = arith.muli %mul3A_50, %mul3A_51 : i32
      %add3A_53 = arith.constant 2600 : i32
      %add3A_54 = arith.addi %mul3A_52, %add3A_53 : i32
      %mul3A_55 = arith.constant 2600 : i32
      %mul3A_56 = arith.muli %scan3A_42, %mul3A_55 : i32
      %scan3A_57 = arith.constant 0 : i32
      %scan3A_58 = arith.constant 0 : i32
      %scan3A_59 = arith.constant 162 : i32
      %scan3A_60 = arith.addi %scan3A_58, %scan3A_59 : i32
      %scan3A_61 = arith.constant 1 : i32
      %scan3A_62 = scf.for %scan3A_81 = %scan3A_58 to %scan3A_60 step %scan3A_61 iter_args(%scan3A_82 = %scan3A_57) -> (i32)  : i32 {
        %mul3A_83 = arith.constant 16 : i32
        %mul3A_84 = arith.muli %scan3A_81, %mul3A_83 : i32
        %add3A_85 = arith.addi %mul3A_52, %mul3A_84 : i32
        %get3A_86 = arith.index_cast %add3A_85 : i32 to index
        %get3A_87 = tpu.vector_load %arg8[%get3A_86] {strides = array<i32>} : memref<62416xi32, #tpu.memory_space<vmem>>, vector<16xi32>,
        %add3A_88 = vector.broadcast %add3A_48 : i32 to vector<16xi32>
        %add3A_89 = arith.addi %get3A_87, %add3A_88 : vector<16xi32>
        %mul3A_90 = arith.constant 16 : i32
        %mul3A_91 = arith.muli %scan3A_81, %mul3A_90 : i32
        %add3A_92 = arith.addi %add3A_54, %mul3A_91 : i32
        %get3A_93 = arith.index_cast %add3A_92 : i32 to index
        %get3A_94 = tpu.vector_load %arg8[%get3A_93] {strides = array<i32>} : memref<62416xi32, #tpu.memory_space<vmem>>, vector<16xi32>,
        %add3A_95 = vector.broadcast %mul3A_45 : i32 to vector<16xi32>
        %add3A_96 = arith.addi %get3A_94, %add3A_95 : vector<16xi32>
        %mul3A_97 = arith.constant 16 : i32
        %mul3A_98 = arith.muli %scan3A_81, %mul3A_97 : i32
        %add3A_99 = arith.addi %mul3A_56, %mul3A_98 : i32
        %get3A_100 = arith.index_cast %add3A_99 : i32 to index
        %get3A_101 = tpu.vector_load %arg9[%get3A_100] {strides = array<i32>} : memref<31216xf32, #tpu.memory_space<vmem>>, vector<16xf32>,
        %gather3A_102 = tpu.vector_load_idx %arg7[%add3A_89] : memref<3904xf32, #tpu.memory_space<vmem>>[vector<16xi32>], vector<16xf32>,
        %mul3A_103 = arith.mulf %gather3A_102, %get3A_101 : vector<16xf32>
        tpu.vector_store_idx %arg10[%add3A_96], %mul3A_103 {add = true} : memref<4032xf32, #tpu.memory_space<vmem>>[vector<16xi32>], vector<16xf32>,
        tpu.vector_store_idx %arg11[%add3A_96], %get3A_101 {add = true} : memref<4032xf32, #tpu.memory_space<vmem>>[vector<16xi32>], vector<16xf32>,
        %scan3A_104 = arith.constant 0 : i32
        scf.yield %scan3A_104 : i32
      }
      %scan3A_63 = arith.constant 162 : i32
      %add3A_64 = arith.constant 2592 : i32
      %add3A_65 = arith.addi %mul3A_52, %add3A_64 : i32
      %get3A = arith.index_cast %add3A_65 : i32 to index
      %get3A_66 = tpu.vector_load %arg8[%get3A] {strides = array<i32>} : memref<62416xi32, #tpu.memory_space<vmem>>, vector<16xi32>,
      %add3A_67 = vector.broadcast %add3A_48 : i32 to vector<16xi32>
      %add3A_68 = arith.addi %get3A_66, %add3A_67 : vector<16xi32>
      %add3A_69 = arith.constant 2592 : i32
      %add3A_70 = arith.addi %add3A_54, %add3A_69 : i32
      %get3A_71 = arith.index_cast %add3A_70 : i32 to index
      %get3A_72 = tpu.vector_load %arg8[%get3A_71] {strides = array<i32>} : memref<62416xi32, #tpu.memory_space<vmem>>, vector<16xi32>,
      %add3A_73 = vector.broadcast %mul3A_45 : i32 to vector<16xi32>
      %add3A_74 = arith.addi %get3A_72, %add3A_73 : vector<16xi32>
      %add3A_75 = arith.constant 2592 : i32
      %add3A_76 = arith.addi %mul3A_56, %add3A_75 : i32
      %get3A_77 = arith.index_cast %add3A_76 : i32 to index
      %get3A_78 = tpu.vector_load %arg9[%get3A_77] {strides = array<i32>} : memref<31216xf32, #tpu.memory_space<vmem>>, vector<16xf32>,
      %gather3A = tpu.vector_load_idx %arg7[%add3A_68] masked %lt3A_27 : memref<3904xf32, #tpu.memory_space<vmem>>[vector<16xi32>], vector<16xf32>, vector<16xi1>
      %mul3A_79 = arith.mulf %gather3A, %get3A_78 : vector<16xf32>
      tpu.vector_store_idx %arg10[%add3A_74], %mul3A_79 masked %lt3A_27 {add = true} : memref<4032xf32, #tpu.memory_space<vmem>>[vector<16xi32>], vector<16xf32>, vector<16xi1>
      tpu.vector_store_idx %arg11[%add3A_74], %get3A_78 masked %lt3A_27 {add = true} : memref<4032xf32, #tpu.memory_space<vmem>>[vector<16xi32>], vector<16xf32>, vector<16xi1>
      %scan3A_80 = arith.constant 0 : i32
      scf.yield %scan3A_80 : i32
    }
    %scan3A_34 = arith.constant 12 : i32
    %scan3A_35 = arith.constant 0 : i32
    %scan3A_36 = arith.constant 0 : i32
    %scan3A_37 = arith.constant 12 : i32
    %scan3A_38 = arith.addi %scan3A_36, %scan3A_37 : i32
    %scan3A_39 = arith.constant 1 : i32
    %scan3A_40 = scf.for %scan3A_42 = %scan3A_36 to %scan3A_38 step %scan3A_39 iter_args(%scan3A_43 = %scan3A_35) -> (i32)  : i32 {
      %mul3A_44 = arith.constant 32 : i32
      %mul3A_45 = arith.muli %scan3A_42, %mul3A_44 : i32
      %add3A_46 = arith.addi %mul3A_45, %add3A : i32
      %mul3A_47 = arith.constant 336 : i32
      %mul3A_48 = arith.muli %add3A_46, %mul3A_47 : i32
      %mul3A_49 = arith.constant 336 : i32
      %mul3A_50 = arith.muli %scan3A_42, %mul3A_49 : i32
      "tpu.region"() ({
        %run_scoped3A = tpu.sem_alloc : memref<!tpu.dma_semaphore, #tpu.memory_space<semaphore_mem>>
        %dma_start3A = tpu.memref_slice %arg10[%mul3A_50] : memref<4032xf32, #tpu.memory_space<vmem>> -> memref<336xf32, #tpu.memory_space<vmem>>
        %dma_start3A_54 = tpu.memref_slice %arg5[%mul3A_48] : memref<129024xf32, #tpu.memory_space<hbm>> -> memref<336xf32, #tpu.memory_space<hbm>>
        %dma_start3A_55 = tpu.memref_slice %arg5[%mul3A_48] : memref<129024xf32, #tpu.memory_space<hbm>> -> memref<336xf32, #tpu.memory_space<hbm>>
        %dma_start3A_56 = tpu.memref_slice %arg10[%mul3A_50] : memref<4032xf32, #tpu.memory_space<vmem>> -> memref<336xf32, #tpu.memory_space<vmem>>
        tpu.enqueue_dma source(%dma_start3A_56 : memref<336xf32, #tpu.memory_space<vmem>>) target(%dma_start3A_55 : memref<336xf32, #tpu.memory_space<hbm>>) target_semaphore(%run_scoped3A : memref<!tpu.dma_semaphore, #tpu.memory_space<semaphore_mem>>)
        %dma_wait3A = tpu.memref_slice %arg10[%mul3A_50] : memref<4032xf32, #tpu.memory_space<vmem>> -> memref<336xf32, #tpu.memory_space<vmem>>
        %dma_wait3A_57 = tpu.memref_slice %arg5[%mul3A_48] : memref<129024xf32, #tpu.memory_space<hbm>> -> memref<336xf32, #tpu.memory_space<hbm>>
        %dma_wait3A_58 = tpu.memref_slice %arg5[%mul3A_48] : memref<129024xf32, #tpu.memory_space<hbm>> -> memref<336xf32, #tpu.memory_space<hbm>>
        %dma_wait3A_59 = tpu.memref_slice %arg10[%mul3A_50] : memref<4032xf32, #tpu.memory_space<vmem>> -> memref<336xf32, #tpu.memory_space<vmem>>
        tpu.wait_dma2 semaphore(%run_scoped3A : memref<!tpu.dma_semaphore, #tpu.memory_space<semaphore_mem>>) src(%dma_wait3A_59 : memref<336xf32, #tpu.memory_space<vmem>>) dst(%dma_wait3A_58 : memref<336xf32, #tpu.memory_space<hbm>>)
        tpu.yield
      }) : () -> ()
      %mul3A_51 = arith.constant 336 : i32
      %mul3A_52 = arith.muli %scan3A_42, %mul3A_51 : i32
      "tpu.region"() ({
        %run_scoped3A = tpu.sem_alloc : memref<!tpu.dma_semaphore, #tpu.memory_space<semaphore_mem>>
        %dma_start3A = tpu.memref_slice %arg11[%mul3A_52] : memref<4032xf32, #tpu.memory_space<vmem>> -> memref<336xf32, #tpu.memory_space<vmem>>
        %dma_start3A_54 = tpu.memref_slice %arg6[%mul3A_48] : memref<129024xf32, #tpu.memory_space<hbm>> -> memref<336xf32, #tpu.memory_space<hbm>>
        %dma_start3A_55 = tpu.memref_slice %arg6[%mul3A_48] : memref<129024xf32, #tpu.memory_space<hbm>> -> memref<336xf32, #tpu.memory_space<hbm>>
        %dma_start3A_56 = tpu.memref_slice %arg11[%mul3A_52] : memref<4032xf32, #tpu.memory_space<vmem>> -> memref<336xf32, #tpu.memory_space<vmem>>
        tpu.enqueue_dma source(%dma_start3A_56 : memref<336xf32, #tpu.memory_space<vmem>>) target(%dma_start3A_55 : memref<336xf32, #tpu.memory_space<hbm>>) target_semaphore(%run_scoped3A : memref<!tpu.dma_semaphore, #tpu.memory_space<semaphore_mem>>)
        %dma_wait3A = tpu.memref_slice %arg11[%mul3A_52] : memref<4032xf32, #tpu.memory_space<vmem>> -> memref<336xf32, #tpu.memory_space<vmem>>
        %dma_wait3A_57 = tpu.memref_slice %arg6[%mul3A_48] : memref<129024xf32, #tpu.memory_space<hbm>> -> memref<336xf32, #tpu.memory_space<hbm>>
        %dma_wait3A_58 = tpu.memref_slice %arg6[%mul3A_48] : memref<129024xf32, #tpu.memory_space<hbm>> -> memref<336xf32, #tpu.memory_space<hbm>>
        %dma_wait3A_59 = tpu.memref_slice %arg11[%mul3A_52] : memref<4032xf32, #tpu.memory_space<vmem>> -> memref<336xf32, #tpu.memory_space<vmem>>
        tpu.wait_dma2 semaphore(%run_scoped3A : memref<!tpu.dma_semaphore, #tpu.memory_space<semaphore_mem>>) src(%dma_wait3A_59 : memref<336xf32, #tpu.memory_space<vmem>>) dst(%dma_wait3A_58 : memref<336xf32, #tpu.memory_space<hbm>>)
        tpu.yield
      }) : () -> ()
      %scan3A_53 = arith.constant 0 : i32
      scf.yield %scan3A_53 : i32
    }
    %scan3A_41 = arith.constant 12 : i32
    return
  }
}

module attributes {stable_mosaic.version = 14 : i64} {
  func.func @_tc1_body(%arg0: i32, %arg1: memref<384x325xf32, #tpu.memory_space<vmem>>, %arg2: memref<384x325xf32, #tpu.memory_space<vmem>>, %arg3: memref<1x20800xf32, #tpu.memory_space<vmem>>, %arg4: memref<1x20800xf32, #tpu.memory_space<vmem>>, %arg5: memref<128x20800xf32, #tpu.memory_space<vmem>>, %arg6: memref<1x128xf32, #tpu.memory_space<vmem>>, %arg7: memref<384x128xf32, #tpu.memory_space<vmem>>, %arg8: memref<384x20800xbf16, #tpu.memory_space<vmem>>) attributes {dimension_semantics = [#tpu.dimension_semantics<arbitrary>], iteration_bounds = array<i64: 16>, scalar_prefetch = 0 : i64, scratch_operands = 1 : i64, tpu.core_type = #tpu.core_type<tc>, window_params = [{pipeline_mode = #tpu.pipeline_mode<synchronous>, transform_indices = @transform_0, window_bounds = array<i64: 384, 325>}, {pipeline_mode = #tpu.pipeline_mode<synchronous>, transform_indices = @transform_1, window_bounds = array<i64: 384, 325>}, {pipeline_mode = #tpu.pipeline_mode<synchronous>, transform_indices = @transform_2, window_bounds = array<i64: 1, 20800>}, {pipeline_mode = #tpu.pipeline_mode<synchronous>, transform_indices = @transform_3, window_bounds = array<i64: 1, 20800>}, {transform_indices = @transform_4, window_bounds = array<i64: 128, 20800>}, {transform_indices = @transform_5, window_bounds = array<i64: 1, 128>}, {transform_indices = @transform_6, window_bounds = array<i64: 384, 128>}]} {
    %eq3A = arith.constant 0 : i32
    %eq3A_0 = arith.cmpi eq, %arg0, %eq3A : i32
    %convert_element_type3A = arith.extui %eq3A_0 : i1 to i32
    %cond3A = arith.constant 0 : i32
    %cond3A_1 = arith.cmpi ne, %convert_element_type3A, %cond3A : i32
    scf.if %cond3A_1 {
      %get3A_15 = arith.constant 0 : index
      %get3A_16 = arith.constant 0 : index
      %get3A_17 = vector.load %arg1[%get3A_15, %get3A_16] : memref<384x325xf32, #tpu.memory_space<vmem>>, vector<384x325xf32>
      %get3A_18 = arith.constant 0 : index
      %get3A_19 = arith.constant 0 : index
      %get3A_20 = vector.load %arg2[%get3A_18, %get3A_19] : memref<384x325xf32, #tpu.memory_space<vmem>>, vector<384x325xf32>
      %concatenate3A = tpu.concatenate %get3A_17, %get3A_20 in 0 : vector<384x325xf32>, vector<384x325xf32> -> vector<768x325xf32>
      %iota3A = tpu.iota {dimensions = array<i32: 0>} : vector<325x1600xi32>
      %iota3A_21 = tpu.iota {dimensions = array<i32: 1>} : vector<325x1600xi32>
      %jit3A = arith.constant 64 : i32
      %div3A = vector.broadcast %jit3A : i32 to vector<325x1600xi32>
      %div3A_22 = arith.divsi %iota3A_21, %div3A : vector<325x1600xi32>
      %sign3A = arith.constant 0 : i32
      %sign3A_23 = vector.broadcast %sign3A : i32 to vector<325x1600xi32>
      %sign3A_24 = arith.cmpi sgt, %iota3A_21, %sign3A_23 : vector<325x1600xi32>
      %sign3A_25 = arith.extui %sign3A_24 : vector<325x1600xi1> to vector<325x1600xi32>
      %sign3A_26 = arith.constant 0 : i32
      %sign3A_27 = vector.broadcast %sign3A_26 : i32 to vector<325x1600xi32>
      %sign3A_28 = arith.cmpi slt, %iota3A_21, %sign3A_27 : vector<325x1600xi32>
      %sign3A_29 = arith.extui %sign3A_28 : vector<325x1600xi1> to vector<325x1600xi32>
      %sign3A_30 = arith.subi %sign3A_25, %sign3A_29 : vector<325x1600xi32>
      %sign3A_31 = arith.constant 0 : i32
      %sign3A_32 = arith.cmpi sgt, %jit3A, %sign3A_31 : i32
      %sign3A_33 = arith.extui %sign3A_32 : i1 to i32
      %sign3A_34 = arith.constant 0 : i32
      %sign3A_35 = arith.cmpi slt, %jit3A, %sign3A_34 : i32
      %sign3A_36 = arith.extui %sign3A_35 : i1 to i32
      %sign3A_37 = arith.subi %sign3A_33, %sign3A_36 : i32
      %ne3A = vector.broadcast %sign3A_37 : i32 to vector<325x1600xi32>
      %ne3A_38 = arith.cmpi ne, %sign3A_30, %ne3A : vector<325x1600xi32>
      %rem3A = vector.broadcast %jit3A : i32 to vector<325x1600xi32>
      %rem3A_39 = arith.remsi %iota3A_21, %rem3A : vector<325x1600xi32>
      %ne3A_40 = arith.constant 0 : i32
      %ne3A_41 = vector.broadcast %ne3A_40 : i32 to vector<325x1600xi32>
      %ne3A_42 = arith.cmpi ne, %rem3A_39, %ne3A_41 : vector<325x1600xi32>
      %and3A = arith.andi %ne3A_38, %ne3A_42 : vector<325x1600xi1>
      %sub3A = arith.constant 1 : i32
      %sub3A_43 = vector.broadcast %sub3A : i32 to vector<325x1600xi32>
      %sub3A_44 = arith.subi %div3A_22, %sub3A_43 : vector<325x1600xi32>
      %select_n3A = arith.select %and3A, %sub3A_44, %div3A_22 : vector<325x1600xi1>, vector<325x1600xi32>
      %add3A_45 = arith.constant 0 : i32
      %add3A_46 = vector.broadcast %add3A_45 : i32 to vector<325x1600xi32>
      %add3A_47 = arith.addi %add3A_46, %select_n3A : vector<325x1600xi32>
      %eq3A_48 = arith.cmpi eq, %iota3A, %add3A_47 : vector<325x1600xi32>
      %convert_element_type3A_49 = arith.extui %eq3A_48 : vector<325x1600xi1> to vector<325x1600xi32>
      %convert_element_type3A_50 = arith.sitofp %convert_element_type3A_49 : vector<325x1600xi32> to vector<325x1600xf32>
      %dot_general3A_51 = arith.constant dense<0.000000e+00> : vector<768x1600xf32>
      %dot_general3A_52 = tpu.matmul %concatenate3A, %convert_element_type3A_50, %dot_general3A_51 {dimension_numbers = #tpu.dot_dimension_numbers<[1], [0], [0], [1], [0, 0, 1, 1], [], []>, transpose_lhs_hint = false} : vector<768x325xf32>, vector<325x1600xf32>, vector<768x1600xf32> -> vector<768x1600xf32>
      %get3A_53 = arith.constant 0 : index
      %get3A_54 = arith.constant 0 : index
      %get3A_55 = vector.load %arg3[%get3A_53, %get3A_54] : memref<1x20800xf32, #tpu.memory_space<vmem>>, vector<1x1600xf32>
      %get3A_56 = vector.shape_cast %get3A_55 : vector<1x1600xf32> to vector<1600xf32>
      %get3A_57 = arith.constant 0 : index
      %get3A_58 = arith.constant 0 : index
      %get3A_59 = vector.load %arg4[%get3A_57, %get3A_58] : memref<1x20800xf32, #tpu.memory_space<vmem>>, vector<1x1600xf32>
      %get3A_60 = vector.shape_cast %get3A_59 : vector<1x1600xf32> to vector<1600xf32>
      %slice3A = vector.extract_strided_slice %dot_general3A_52 {offsets = [0, 0], sizes = [384, 1600], strides = [1, 1]} : vector<768x1600xf32> to vector<384x1600xf32>
      %broadcast_in_dim3A = vector.shape_cast %get3A_56 : vector<1600xf32> to vector<1x1600xf32>
      %mul3A = vector.broadcast %broadcast_in_dim3A : vector<1x1600xf32> to vector<384x1600xf32>
      %mul3A_61 = arith.mulf %slice3A, %mul3A : vector<384x1600xf32>
      %slice3A_62 = vector.extract_strided_slice %dot_general3A_52 {offsets = [384, 0], sizes = [384, 1600], strides = [1, 1]} : vector<768x1600xf32> to vector<384x1600xf32>
      %broadcast_in_dim3A_63 = vector.shape_cast %get3A_60 : vector<1600xf32> to vector<1x1600xf32>
      %mul3A_64 = vector.broadcast %broadcast_in_dim3A_63 : vector<1x1600xf32> to vector<384x1600xf32>
      %mul3A_65 = arith.mulf %slice3A_62, %mul3A_64 : vector<384x1600xf32>
      %add3A_66 = arith.addf %mul3A_61, %mul3A_65 : vector<384x1600xf32>
      %max3A = arith.constant 0.000000e+00 : f32
      %max3A_67 = vector.broadcast %max3A : f32 to vector<384x1600xf32>
      %max3A_68 = arith.maximumf %add3A_66, %max3A_67 : vector<384x1600xf32>
      %tanh3A = math.tanh %max3A_68 : vector<384x1600xf32>
      %convert_element_type3A_69 = arith.truncf %tanh3A : vector<384x1600xf32> to vector<384x1600xbf16>
      %swap3A_70 = arith.constant 0 : index
      %swap3A_71 = arith.constant 0 : index
      %swap3A_72 = vector.load %arg8[%swap3A_70, %swap3A_71] : memref<384x20800xbf16, #tpu.memory_space<vmem>>, vector<384x1600xbf16>
      tpu.vector_store %arg8[%swap3A_70, %swap3A_71], %convert_element_type3A_69 {strides = array<i32>} : memref<384x20800xbf16, #tpu.memory_space<vmem>>, vector<384x1600xbf16>,
      %iota3A_73 = tpu.iota {dimensions = array<i32: 0>} : vector<325x1600xi32>
      %iota3A_74 = tpu.iota {dimensions = array<i32: 1>} : vector<325x1600xi32>
      %jit3A_75 = arith.constant 64 : i32
      %div3A_76 = vector.broadcast %jit3A_75 : i32 to vector<325x1600xi32>
      %div3A_77 = arith.divsi %iota3A_74, %div3A_76 : vector<325x1600xi32>
      %sign3A_78 = arith.constant 0 : i32
      %sign3A_79 = vector.broadcast %sign3A_78 : i32 to vector<325x1600xi32>
      %sign3A_80 = arith.cmpi sgt, %iota3A_74, %sign3A_79 : vector<325x1600xi32>
      %sign3A_81 = arith.extui %sign3A_80 : vector<325x1600xi1> to vector<325x1600xi32>
      %sign3A_82 = arith.constant 0 : i32
      %sign3A_83 = vector.broadcast %sign3A_82 : i32 to vector<325x1600xi32>
      %sign3A_84 = arith.cmpi slt, %iota3A_74, %sign3A_83 : vector<325x1600xi32>
      %sign3A_85 = arith.extui %sign3A_84 : vector<325x1600xi1> to vector<325x1600xi32>
      %sign3A_86 = arith.subi %sign3A_81, %sign3A_85 : vector<325x1600xi32>
      %sign3A_87 = arith.constant 0 : i32
      %sign3A_88 = arith.cmpi sgt, %jit3A_75, %sign3A_87 : i32
      %sign3A_89 = arith.extui %sign3A_88 : i1 to i32
      %sign3A_90 = arith.constant 0 : i32
      %sign3A_91 = arith.cmpi slt, %jit3A_75, %sign3A_90 : i32
      %sign3A_92 = arith.extui %sign3A_91 : i1 to i32
      %sign3A_93 = arith.subi %sign3A_89, %sign3A_92 : i32
      %ne3A_94 = vector.broadcast %sign3A_93 : i32 to vector<325x1600xi32>
      %ne3A_95 = arith.cmpi ne, %sign3A_86, %ne3A_94 : vector<325x1600xi32>
      %rem3A_96 = vector.broadcast %jit3A_75 : i32 to vector<325x1600xi32>
      %rem3A_97 = arith.remsi %iota3A_74, %rem3A_96 : vector<325x1600xi32>
      %ne3A_98 = arith.constant 0 : i32
      %ne3A_99 = vector.broadcast %ne3A_98 : i32 to vector<325x1600xi32>
      %ne3A_100 = arith.cmpi ne, %rem3A_97, %ne3A_99 : vector<325x1600xi32>
      %and3A_101 = arith.andi %ne3A_95, %ne3A_100 : vector<325x1600xi1>
      %sub3A_102 = arith.constant 1 : i32
      %sub3A_103 = vector.broadcast %sub3A_102 : i32 to vector<325x1600xi32>
      %sub3A_104 = arith.subi %div3A_77, %sub3A_103 : vector<325x1600xi32>
      %select_n3A_105 = arith.select %and3A_101, %sub3A_104, %div3A_77 : vector<325x1600xi1>, vector<325x1600xi32>
      %add3A_106 = arith.constant 25 : i32
      %add3A_107 = vector.broadcast %add3A_106 : i32 to vector<325x1600xi32>
      %add3A_108 = arith.addi %add3A_107, %select_n3A_105 : vector<325x1600xi32>
      %eq3A_109 = arith.cmpi eq, %iota3A_73, %add3A_108 : vector<325x1600xi32>
      %convert_element_type3A_110 = arith.extui %eq3A_109 : vector<325x1600xi1> to vector<325x1600xi32>
      %convert_element_type3A_111 = arith.sitofp %convert_element_type3A_110 : vector<325x1600xi32> to vector<325x1600xf32>
      %dot_general3A_112 = arith.constant dense<0.000000e+00> : vector<768x1600xf32>
      %dot_general3A_113 = tpu.matmul %concatenate3A, %convert_element_type3A_111, %dot_general3A_112 {dimension_numbers = #tpu.dot_dimension_numbers<[1], [0], [0], [1], [0, 0, 1, 1], [], []>, transpose_lhs_hint = false} : vector<768x325xf32>, vector<325x1600xf32>, vector<768x1600xf32> -> vector<768x1600xf32>
      %get3A_114 = arith.constant 0 : index
      %get3A_115 = arith.constant 1600 : index
      %get3A_116 = vector.load %arg3[%get3A_114, %get3A_115] : memref<1x20800xf32, #tpu.memory_space<vmem>>, vector<1x1600xf32>
      %get3A_117 = vector.shape_cast %get3A_116 : vector<1x1600xf32> to vector<1600xf32>
      %get3A_118 = arith.constant 0 : index
      %get3A_119 = arith.constant 1600 : index
      %get3A_120 = vector.load %arg4[%get3A_118, %get3A_119] : memref<1x20800xf32, #tpu.memory_space<vmem>>, vector<1x1600xf32>
      %get3A_121 = vector.shape_cast %get3A_120 : vector<1x1600xf32> to vector<1600xf32>
      %slice3A_122 = vector.extract_strided_slice %dot_general3A_113 {offsets = [0, 0], sizes = [384, 1600], strides = [1, 1]} : vector<768x1600xf32> to vector<384x1600xf32>
      %broadcast_in_dim3A_123 = vector.shape_cast %get3A_117 : vector<1600xf32> to vector<1x1600xf32>
      %mul3A_124 = vector.broadcast %broadcast_in_dim3A_123 : vector<1x1600xf32> to vector<384x1600xf32>
      %mul3A_125 = arith.mulf %slice3A_122, %mul3A_124 : vector<384x1600xf32>
      %slice3A_126 = vector.extract_strided_slice %dot_general3A_113 {offsets = [384, 0], sizes = [384, 1600], strides = [1, 1]} : vector<768x1600xf32> to vector<384x1600xf32>
      %broadcast_in_dim3A_127 = vector.shape_cast %get3A_121 : vector<1600xf32> to vector<1x1600xf32>
      %mul3A_128 = vector.broadcast %broadcast_in_dim3A_127 : vector<1x1600xf32> to vector<384x1600xf32>
      %mul3A_129 = arith.mulf %slice3A_126, %mul3A_128 : vector<384x1600xf32>
      %add3A_130 = arith.addf %mul3A_125, %mul3A_129 : vector<384x1600xf32>
      %max3A_131 = arith.constant 0.000000e+00 : f32
      %max3A_132 = vector.broadcast %max3A_131 : f32 to vector<384x1600xf32>
      %max3A_133 = arith.maximumf %add3A_130, %max3A_132 : vector<384x1600xf32>
      %tanh3A_134 = math.tanh %max3A_133 : vector<384x1600xf32>
      %convert_element_type3A_135 = arith.truncf %tanh3A_134 : vector<384x1600xf32> to vector<384x1600xbf16>
      %swap3A_136 = arith.constant 0 : index
      %swap3A_137 = arith.constant 1600 : index
      %swap3A_138 = vector.load %arg8[%swap3A_136, %swap3A_137] : memref<384x20800xbf16, #tpu.memory_space<vmem>>, vector<384x1600xbf16>
      tpu.vector_store %arg8[%swap3A_136, %swap3A_137], %convert_element_type3A_135 {strides = array<i32>} : memref<384x20800xbf16, #tpu.memory_space<vmem>>, vector<384x1600xbf16>,
      %iota3A_139 = tpu.iota {dimensions = array<i32: 0>} : vector<325x1600xi32>
      %iota3A_140 = tpu.iota {dimensions = array<i32: 1>} : vector<325x1600xi32>
      %jit3A_141 = arith.constant 64 : i32
      %div3A_142 = vector.broadcast %jit3A_141 : i32 to vector<325x1600xi32>
      %div3A_143 = arith.divsi %iota3A_140, %div3A_142 : vector<325x1600xi32>
      %sign3A_144 = arith.constant 0 : i32
      %sign3A_145 = vector.broadcast %sign3A_144 : i32 to vector<325x1600xi32>
      %sign3A_146 = arith.cmpi sgt, %iota3A_140, %sign3A_145 : vector<325x1600xi32>
      %sign3A_147 = arith.extui %sign3A_146 : vector<325x1600xi1> to vector<325x1600xi32>
      %sign3A_148 = arith.constant 0 : i32
      %sign3A_149 = vector.broadcast %sign3A_148 : i32 to vector<325x1600xi32>
      %sign3A_150 = arith.cmpi slt, %iota3A_140, %sign3A_149 : vector<325x1600xi32>
      %sign3A_151 = arith.extui %sign3A_150 : vector<325x1600xi1> to vector<325x1600xi32>
      %sign3A_152 = arith.subi %sign3A_147, %sign3A_151 : vector<325x1600xi32>
      %sign3A_153 = arith.constant 0 : i32
      %sign3A_154 = arith.cmpi sgt, %jit3A_141, %sign3A_153 : i32
      %sign3A_155 = arith.extui %sign3A_154 : i1 to i32
      %sign3A_156 = arith.constant 0 : i32
      %sign3A_157 = arith.cmpi slt, %jit3A_141, %sign3A_156 : i32
      %sign3A_158 = arith.extui %sign3A_157 : i1 to i32
      %sign3A_159 = arith.subi %sign3A_155, %sign3A_158 : i32
      %ne3A_160 = vector.broadcast %sign3A_159 : i32 to vector<325x1600xi32>
      %ne3A_161 = arith.cmpi ne, %sign3A_152, %ne3A_160 : vector<325x1600xi32>
      %rem3A_162 = vector.broadcast %jit3A_141 : i32 to vector<325x1600xi32>
      %rem3A_163 = arith.remsi %iota3A_140, %rem3A_162 : vector<325x1600xi32>
      %ne3A_164 = arith.constant 0 : i32
      %ne3A_165 = vector.broadcast %ne3A_164 : i32 to vector<325x1600xi32>
      %ne3A_166 = arith.cmpi ne, %rem3A_163, %ne3A_165 : vector<325x1600xi32>
      %and3A_167 = arith.andi %ne3A_161, %ne3A_166 : vector<325x1600xi1>
      %sub3A_168 = arith.constant 1 : i32
      %sub3A_169 = vector.broadcast %sub3A_168 : i32 to vector<325x1600xi32>
      %sub3A_170 = arith.subi %div3A_143, %sub3A_169 : vector<325x1600xi32>
      %select_n3A_171 = arith.select %and3A_167, %sub3A_170, %div3A_143 : vector<325x1600xi1>, vector<325x1600xi32>
      %add3A_172 = arith.constant 50 : i32
      %add3A_173 = vector.broadcast %add3A_172 : i32 to vector<325x1600xi32>
      %add3A_174 = arith.addi %add3A_173, %select_n3A_171 : vector<325x1600xi32>
      %eq3A_175 = arith.cmpi eq, %iota3A_139, %add3A_174 : vector<325x1600xi32>
      %convert_element_type3A_176 = arith.extui %eq3A_175 : vector<325x1600xi1> to vector<325x1600xi32>
      %convert_element_type3A_177 = arith.sitofp %convert_element_type3A_176 : vector<325x1600xi32> to vector<325x1600xf32>
      %dot_general3A_178 = arith.constant dense<0.000000e+00> : vector<768x1600xf32>
      %dot_general3A_179 = tpu.matmul %concatenate3A, %convert_element_type3A_177, %dot_general3A_178 {dimension_numbers = #tpu.dot_dimension_numbers<[1], [0], [0], [1], [0, 0, 1, 1], [], []>, transpose_lhs_hint = false} : vector<768x325xf32>, vector<325x1600xf32>, vector<768x1600xf32> -> vector<768x1600xf32>
      %get3A_180 = arith.constant 0 : index
      %get3A_181 = arith.constant 3200 : index
      %get3A_182 = vector.load %arg3[%get3A_180, %get3A_181] : memref<1x20800xf32, #tpu.memory_space<vmem>>, vector<1x1600xf32>
      %get3A_183 = vector.shape_cast %get3A_182 : vector<1x1600xf32> to vector<1600xf32>
      %get3A_184 = arith.constant 0 : index
      %get3A_185 = arith.constant 3200 : index
      %get3A_186 = vector.load %arg4[%get3A_184, %get3A_185] : memref<1x20800xf32, #tpu.memory_space<vmem>>, vector<1x1600xf32>
      %get3A_187 = vector.shape_cast %get3A_186 : vector<1x1600xf32> to vector<1600xf32>
      %slice3A_188 = vector.extract_strided_slice %dot_general3A_179 {offsets = [0, 0], sizes = [384, 1600], strides = [1, 1]} : vector<768x1600xf32> to vector<384x1600xf32>
      %broadcast_in_dim3A_189 = vector.shape_cast %get3A_183 : vector<1600xf32> to vector<1x1600xf32>
      %mul3A_190 = vector.broadcast %broadcast_in_dim3A_189 : vector<1x1600xf32> to vector<384x1600xf32>
      %mul3A_191 = arith.mulf %slice3A_188, %mul3A_190 : vector<384x1600xf32>
      %slice3A_192 = vector.extract_strided_slice %dot_general3A_179 {offsets = [384, 0], sizes = [384, 1600], strides = [1, 1]} : vector<768x1600xf32> to vector<384x1600xf32>
      %broadcast_in_dim3A_193 = vector.shape_cast %get3A_187 : vector<1600xf32> to vector<1x1600xf32>
      %mul3A_194 = vector.broadcast %broadcast_in_dim3A_193 : vector<1x1600xf32> to vector<384x1600xf32>
      %mul3A_195 = arith.mulf %slice3A_192, %mul3A_194 : vector<384x1600xf32>
      %add3A_196 = arith.addf %mul3A_191, %mul3A_195 : vector<384x1600xf32>
      %max3A_197 = arith.constant 0.000000e+00 : f32
      %max3A_198 = vector.broadcast %max3A_197 : f32 to vector<384x1600xf32>
      %max3A_199 = arith.maximumf %add3A_196, %max3A_198 : vector<384x1600xf32>
      %tanh3A_200 = math.tanh %max3A_199 : vector<384x1600xf32>
      %convert_element_type3A_201 = arith.truncf %tanh3A_200 : vector<384x1600xf32> to vector<384x1600xbf16>
      %swap3A_202 = arith.constant 0 : index
      %swap3A_203 = arith.constant 3200 : index
      %swap3A_204 = vector.load %arg8[%swap3A_202, %swap3A_203] : memref<384x20800xbf16, #tpu.memory_space<vmem>>, vector<384x1600xbf16>
      tpu.vector_store %arg8[%swap3A_202, %swap3A_203], %convert_element_type3A_201 {strides = array<i32>} : memref<384x20800xbf16, #tpu.memory_space<vmem>>, vector<384x1600xbf16>,
      %iota3A_205 = tpu.iota {dimensions = array<i32: 0>} : vector<325x1600xi32>
      %iota3A_206 = tpu.iota {dimensions = array<i32: 1>} : vector<325x1600xi32>
      %jit3A_207 = arith.constant 64 : i32
      %div3A_208 = vector.broadcast %jit3A_207 : i32 to vector<325x1600xi32>
      %div3A_209 = arith.divsi %iota3A_206, %div3A_208 : vector<325x1600xi32>
      %sign3A_210 = arith.constant 0 : i32
      %sign3A_211 = vector.broadcast %sign3A_210 : i32 to vector<325x1600xi32>
      %sign3A_212 = arith.cmpi sgt, %iota3A_206, %sign3A_211 : vector<325x1600xi32>
      %sign3A_213 = arith.extui %sign3A_212 : vector<325x1600xi1> to vector<325x1600xi32>
      %sign3A_214 = arith.constant 0 : i32
      %sign3A_215 = vector.broadcast %sign3A_214 : i32 to vector<325x1600xi32>
      %sign3A_216 = arith.cmpi slt, %iota3A_206, %sign3A_215 : vector<325x1600xi32>
      %sign3A_217 = arith.extui %sign3A_216 : vector<325x1600xi1> to vector<325x1600xi32>
      %sign3A_218 = arith.subi %sign3A_213, %sign3A_217 : vector<325x1600xi32>
      %sign3A_219 = arith.constant 0 : i32
      %sign3A_220 = arith.cmpi sgt, %jit3A_207, %sign3A_219 : i32
      %sign3A_221 = arith.extui %sign3A_220 : i1 to i32
      %sign3A_222 = arith.constant 0 : i32
      %sign3A_223 = arith.cmpi slt, %jit3A_207, %sign3A_222 : i32
      %sign3A_224 = arith.extui %sign3A_223 : i1 to i32
      %sign3A_225 = arith.subi %sign3A_221, %sign3A_224 : i32
      %ne3A_226 = vector.broadcast %sign3A_225 : i32 to vector<325x1600xi32>
      %ne3A_227 = arith.cmpi ne, %sign3A_218, %ne3A_226 : vector<325x1600xi32>
      %rem3A_228 = vector.broadcast %jit3A_207 : i32 to vector<325x1600xi32>
      %rem3A_229 = arith.remsi %iota3A_206, %rem3A_228 : vector<325x1600xi32>
      %ne3A_230 = arith.constant 0 : i32
      %ne3A_231 = vector.broadcast %ne3A_230 : i32 to vector<325x1600xi32>
      %ne3A_232 = arith.cmpi ne, %rem3A_229, %ne3A_231 : vector<325x1600xi32>
      %and3A_233 = arith.andi %ne3A_227, %ne3A_232 : vector<325x1600xi1>
      %sub3A_234 = arith.constant 1 : i32
      %sub3A_235 = vector.broadcast %sub3A_234 : i32 to vector<325x1600xi32>
      %sub3A_236 = arith.subi %div3A_209, %sub3A_235 : vector<325x1600xi32>
      %select_n3A_237 = arith.select %and3A_233, %sub3A_236, %div3A_209 : vector<325x1600xi1>, vector<325x1600xi32>
      %add3A_238 = arith.constant 75 : i32
      %add3A_239 = vector.broadcast %add3A_238 : i32 to vector<325x1600xi32>
      %add3A_240 = arith.addi %add3A_239, %select_n3A_237 : vector<325x1600xi32>
      %eq3A_241 = arith.cmpi eq, %iota3A_205, %add3A_240 : vector<325x1600xi32>
      %convert_element_type3A_242 = arith.extui %eq3A_241 : vector<325x1600xi1> to vector<325x1600xi32>
      %convert_element_type3A_243 = arith.sitofp %convert_element_type3A_242 : vector<325x1600xi32> to vector<325x1600xf32>
      %dot_general3A_244 = arith.constant dense<0.000000e+00> : vector<768x1600xf32>
      %dot_general3A_245 = tpu.matmul %concatenate3A, %convert_element_type3A_243, %dot_general3A_244 {dimension_numbers = #tpu.dot_dimension_numbers<[1], [0], [0], [1], [0, 0, 1, 1], [], []>, transpose_lhs_hint = false} : vector<768x325xf32>, vector<325x1600xf32>, vector<768x1600xf32> -> vector<768x1600xf32>
      %get3A_246 = arith.constant 0 : index
      %get3A_247 = arith.constant 4800 : index
      %get3A_248 = vector.load %arg3[%get3A_246, %get3A_247] : memref<1x20800xf32, #tpu.memory_space<vmem>>, vector<1x1600xf32>
      %get3A_249 = vector.shape_cast %get3A_248 : vector<1x1600xf32> to vector<1600xf32>
      %get3A_250 = arith.constant 0 : index
      %get3A_251 = arith.constant 4800 : index
      %get3A_252 = vector.load %arg4[%get3A_250, %get3A_251] : memref<1x20800xf32, #tpu.memory_space<vmem>>, vector<1x1600xf32>
      %get3A_253 = vector.shape_cast %get3A_252 : vector<1x1600xf32> to vector<1600xf32>
      %slice3A_254 = vector.extract_strided_slice %dot_general3A_245 {offsets = [0, 0], sizes = [384, 1600], strides = [1, 1]} : vector<768x1600xf32> to vector<384x1600xf32>
      %broadcast_in_dim3A_255 = vector.shape_cast %get3A_249 : vector<1600xf32> to vector<1x1600xf32>
      %mul3A_256 = vector.broadcast %broadcast_in_dim3A_255 : vector<1x1600xf32> to vector<384x1600xf32>
      %mul3A_257 = arith.mulf %slice3A_254, %mul3A_256 : vector<384x1600xf32>
      %slice3A_258 = vector.extract_strided_slice %dot_general3A_245 {offsets = [384, 0], sizes = [384, 1600], strides = [1, 1]} : vector<768x1600xf32> to vector<384x1600xf32>
      %broadcast_in_dim3A_259 = vector.shape_cast %get3A_253 : vector<1600xf32> to vector<1x1600xf32>
      %mul3A_260 = vector.broadcast %broadcast_in_dim3A_259 : vector<1x1600xf32> to vector<384x1600xf32>
      %mul3A_261 = arith.mulf %slice3A_258, %mul3A_260 : vector<384x1600xf32>
      %add3A_262 = arith.addf %mul3A_257, %mul3A_261 : vector<384x1600xf32>
      %max3A_263 = arith.constant 0.000000e+00 : f32
      %max3A_264 = vector.broadcast %max3A_263 : f32 to vector<384x1600xf32>
      %max3A_265 = arith.maximumf %add3A_262, %max3A_264 : vector<384x1600xf32>
      %tanh3A_266 = math.tanh %max3A_265 : vector<384x1600xf32>
      %convert_element_type3A_267 = arith.truncf %tanh3A_266 : vector<384x1600xf32> to vector<384x1600xbf16>
      %swap3A_268 = arith.constant 0 : index
      %swap3A_269 = arith.constant 4800 : index
      %swap3A_270 = vector.load %arg8[%swap3A_268, %swap3A_269] : memref<384x20800xbf16, #tpu.memory_space<vmem>>, vector<384x1600xbf16>
      tpu.vector_store %arg8[%swap3A_268, %swap3A_269], %convert_element_type3A_267 {strides = array<i32>} : memref<384x20800xbf16, #tpu.memory_space<vmem>>, vector<384x1600xbf16>,
      %iota3A_271 = tpu.iota {dimensions = array<i32: 0>} : vector<325x1600xi32>
      %iota3A_272 = tpu.iota {dimensions = array<i32: 1>} : vector<325x1600xi32>
      %jit3A_273 = arith.constant 64 : i32
      %div3A_274 = vector.broadcast %jit3A_273 : i32 to vector<325x1600xi32>
      %div3A_275 = arith.divsi %iota3A_272, %div3A_274 : vector<325x1600xi32>
      %sign3A_276 = arith.constant 0 : i32
      %sign3A_277 = vector.broadcast %sign3A_276 : i32 to vector<325x1600xi32>
      %sign3A_278 = arith.cmpi sgt, %iota3A_272, %sign3A_277 : vector<325x1600xi32>
      %sign3A_279 = arith.extui %sign3A_278 : vector<325x1600xi1> to vector<325x1600xi32>
      %sign3A_280 = arith.constant 0 : i32
      %sign3A_281 = vector.broadcast %sign3A_280 : i32 to vector<325x1600xi32>
      %sign3A_282 = arith.cmpi slt, %iota3A_272, %sign3A_281 : vector<325x1600xi32>
      %sign3A_283 = arith.extui %sign3A_282 : vector<325x1600xi1> to vector<325x1600xi32>
      %sign3A_284 = arith.subi %sign3A_279, %sign3A_283 : vector<325x1600xi32>
      %sign3A_285 = arith.constant 0 : i32
      %sign3A_286 = arith.cmpi sgt, %jit3A_273, %sign3A_285 : i32
      %sign3A_287 = arith.extui %sign3A_286 : i1 to i32
      %sign3A_288 = arith.constant 0 : i32
      %sign3A_289 = arith.cmpi slt, %jit3A_273, %sign3A_288 : i32
      %sign3A_290 = arith.extui %sign3A_289 : i1 to i32
      %sign3A_291 = arith.subi %sign3A_287, %sign3A_290 : i32
      %ne3A_292 = vector.broadcast %sign3A_291 : i32 to vector<325x1600xi32>
      %ne3A_293 = arith.cmpi ne, %sign3A_284, %ne3A_292 : vector<325x1600xi32>
      %rem3A_294 = vector.broadcast %jit3A_273 : i32 to vector<325x1600xi32>
      %rem3A_295 = arith.remsi %iota3A_272, %rem3A_294 : vector<325x1600xi32>
      %ne3A_296 = arith.constant 0 : i32
      %ne3A_297 = vector.broadcast %ne3A_296 : i32 to vector<325x1600xi32>
      %ne3A_298 = arith.cmpi ne, %rem3A_295, %ne3A_297 : vector<325x1600xi32>
      %and3A_299 = arith.andi %ne3A_293, %ne3A_298 : vector<325x1600xi1>
      %sub3A_300 = arith.constant 1 : i32
      %sub3A_301 = vector.broadcast %sub3A_300 : i32 to vector<325x1600xi32>
      %sub3A_302 = arith.subi %div3A_275, %sub3A_301 : vector<325x1600xi32>
      %select_n3A_303 = arith.select %and3A_299, %sub3A_302, %div3A_275 : vector<325x1600xi1>, vector<325x1600xi32>
      %add3A_304 = arith.constant 100 : i32
      %add3A_305 = vector.broadcast %add3A_304 : i32 to vector<325x1600xi32>
      %add3A_306 = arith.addi %add3A_305, %select_n3A_303 : vector<325x1600xi32>
      %eq3A_307 = arith.cmpi eq, %iota3A_271, %add3A_306 : vector<325x1600xi32>
      %convert_element_type3A_308 = arith.extui %eq3A_307 : vector<325x1600xi1> to vector<325x1600xi32>
      %convert_element_type3A_309 = arith.sitofp %convert_element_type3A_308 : vector<325x1600xi32> to vector<325x1600xf32>
      %dot_general3A_310 = arith.constant dense<0.000000e+00> : vector<768x1600xf32>
      %dot_general3A_311 = tpu.matmul %concatenate3A, %convert_element_type3A_309, %dot_general3A_310 {dimension_numbers = #tpu.dot_dimension_numbers<[1], [0], [0], [1], [0, 0, 1, 1], [], []>, transpose_lhs_hint = false} : vector<768x325xf32>, vector<325x1600xf32>, vector<768x1600xf32> -> vector<768x1600xf32>
      %get3A_312 = arith.constant 0 : index
      %get3A_313 = arith.constant 6400 : index
      %get3A_314 = vector.load %arg3[%get3A_312, %get3A_313] : memref<1x20800xf32, #tpu.memory_space<vmem>>, vector<1x1600xf32>
      %get3A_315 = vector.shape_cast %get3A_314 : vector<1x1600xf32> to vector<1600xf32>
      %get3A_316 = arith.constant 0 : index
      %get3A_317 = arith.constant 6400 : index
      %get3A_318 = vector.load %arg4[%get3A_316, %get3A_317] : memref<1x20800xf32, #tpu.memory_space<vmem>>, vector<1x1600xf32>
      %get3A_319 = vector.shape_cast %get3A_318 : vector<1x1600xf32> to vector<1600xf32>
      %slice3A_320 = vector.extract_strided_slice %dot_general3A_311 {offsets = [0, 0], sizes = [384, 1600], strides = [1, 1]} : vector<768x1600xf32> to vector<384x1600xf32>
      %broadcast_in_dim3A_321 = vector.shape_cast %get3A_315 : vector<1600xf32> to vector<1x1600xf32>
      %mul3A_322 = vector.broadcast %broadcast_in_dim3A_321 : vector<1x1600xf32> to vector<384x1600xf32>
      %mul3A_323 = arith.mulf %slice3A_320, %mul3A_322 : vector<384x1600xf32>
      %slice3A_324 = vector.extract_strided_slice %dot_general3A_311 {offsets = [384, 0], sizes = [384, 1600], strides = [1, 1]} : vector<768x1600xf32> to vector<384x1600xf32>
      %broadcast_in_dim3A_325 = vector.shape_cast %get3A_319 : vector<1600xf32> to vector<1x1600xf32>
      %mul3A_326 = vector.broadcast %broadcast_in_dim3A_325 : vector<1x1600xf32> to vector<384x1600xf32>
      %mul3A_327 = arith.mulf %slice3A_324, %mul3A_326 : vector<384x1600xf32>
      %add3A_328 = arith.addf %mul3A_323, %mul3A_327 : vector<384x1600xf32>
      %max3A_329 = arith.constant 0.000000e+00 : f32
      %max3A_330 = vector.broadcast %max3A_329 : f32 to vector<384x1600xf32>
      %max3A_331 = arith.maximumf %add3A_328, %max3A_330 : vector<384x1600xf32>
      %tanh3A_332 = math.tanh %max3A_331 : vector<384x1600xf32>
      %convert_element_type3A_333 = arith.truncf %tanh3A_332 : vector<384x1600xf32> to vector<384x1600xbf16>
      %swap3A_334 = arith.constant 0 : index
      %swap3A_335 = arith.constant 6400 : index
      %swap3A_336 = vector.load %arg8[%swap3A_334, %swap3A_335] : memref<384x20800xbf16, #tpu.memory_space<vmem>>, vector<384x1600xbf16>
      tpu.vector_store %arg8[%swap3A_334, %swap3A_335], %convert_element_type3A_333 {strides = array<i32>} : memref<384x20800xbf16, #tpu.memory_space<vmem>>, vector<384x1600xbf16>,
      %iota3A_337 = tpu.iota {dimensions = array<i32: 0>} : vector<325x1600xi32>
      %iota3A_338 = tpu.iota {dimensions = array<i32: 1>} : vector<325x1600xi32>
      %jit3A_339 = arith.constant 64 : i32
      %div3A_340 = vector.broadcast %jit3A_339 : i32 to vector<325x1600xi32>
      %div3A_341 = arith.divsi %iota3A_338, %div3A_340 : vector<325x1600xi32>
      %sign3A_342 = arith.constant 0 : i32
      %sign3A_343 = vector.broadcast %sign3A_342 : i32 to vector<325x1600xi32>
      %sign3A_344 = arith.cmpi sgt, %iota3A_338, %sign3A_343 : vector<325x1600xi32>
      %sign3A_345 = arith.extui %sign3A_344 : vector<325x1600xi1> to vector<325x1600xi32>
      %sign3A_346 = arith.constant 0 : i32
      %sign3A_347 = vector.broadcast %sign3A_346 : i32 to vector<325x1600xi32>
      %sign3A_348 = arith.cmpi slt, %iota3A_338, %sign3A_347 : vector<325x1600xi32>
      %sign3A_349 = arith.extui %sign3A_348 : vector<325x1600xi1> to vector<325x1600xi32>
      %sign3A_350 = arith.subi %sign3A_345, %sign3A_349 : vector<325x1600xi32>
      %sign3A_351 = arith.constant 0 : i32
      %sign3A_352 = arith.cmpi sgt, %jit3A_339, %sign3A_351 : i32
      %sign3A_353 = arith.extui %sign3A_352 : i1 to i32
      %sign3A_354 = arith.constant 0 : i32
      %sign3A_355 = arith.cmpi slt, %jit3A_339, %sign3A_354 : i32
      %sign3A_356 = arith.extui %sign3A_355 : i1 to i32
      %sign3A_357 = arith.subi %sign3A_353, %sign3A_356 : i32
      %ne3A_358 = vector.broadcast %sign3A_357 : i32 to vector<325x1600xi32>
      %ne3A_359 = arith.cmpi ne, %sign3A_350, %ne3A_358 : vector<325x1600xi32>
      %rem3A_360 = vector.broadcast %jit3A_339 : i32 to vector<325x1600xi32>
      %rem3A_361 = arith.remsi %iota3A_338, %rem3A_360 : vector<325x1600xi32>
      %ne3A_362 = arith.constant 0 : i32
      %ne3A_363 = vector.broadcast %ne3A_362 : i32 to vector<325x1600xi32>
      %ne3A_364 = arith.cmpi ne, %rem3A_361, %ne3A_363 : vector<325x1600xi32>
      %and3A_365 = arith.andi %ne3A_359, %ne3A_364 : vector<325x1600xi1>
      %sub3A_366 = arith.constant 1 : i32
      %sub3A_367 = vector.broadcast %sub3A_366 : i32 to vector<325x1600xi32>
      %sub3A_368 = arith.subi %div3A_341, %sub3A_367 : vector<325x1600xi32>
      %select_n3A_369 = arith.select %and3A_365, %sub3A_368, %div3A_341 : vector<325x1600xi1>, vector<325x1600xi32>
      %add3A_370 = arith.constant 125 : i32
      %add3A_371 = vector.broadcast %add3A_370 : i32 to vector<325x1600xi32>
      %add3A_372 = arith.addi %add3A_371, %select_n3A_369 : vector<325x1600xi32>
      %eq3A_373 = arith.cmpi eq, %iota3A_337, %add3A_372 : vector<325x1600xi32>
      %convert_element_type3A_374 = arith.extui %eq3A_373 : vector<325x1600xi1> to vector<325x1600xi32>
      %convert_element_type3A_375 = arith.sitofp %convert_element_type3A_374 : vector<325x1600xi32> to vector<325x1600xf32>
      %dot_general3A_376 = arith.constant dense<0.000000e+00> : vector<768x1600xf32>
      %dot_general3A_377 = tpu.matmul %concatenate3A, %convert_element_type3A_375, %dot_general3A_376 {dimension_numbers = #tpu.dot_dimension_numbers<[1], [0], [0], [1], [0, 0, 1, 1], [], []>, transpose_lhs_hint = false} : vector<768x325xf32>, vector<325x1600xf32>, vector<768x1600xf32> -> vector<768x1600xf32>
      %get3A_378 = arith.constant 0 : index
      %get3A_379 = arith.constant 8000 : index
      %get3A_380 = vector.load %arg3[%get3A_378, %get3A_379] : memref<1x20800xf32, #tpu.memory_space<vmem>>, vector<1x1600xf32>
      %get3A_381 = vector.shape_cast %get3A_380 : vector<1x1600xf32> to vector<1600xf32>
      %get3A_382 = arith.constant 0 : index
      %get3A_383 = arith.constant 8000 : index
      %get3A_384 = vector.load %arg4[%get3A_382, %get3A_383] : memref<1x20800xf32, #tpu.memory_space<vmem>>, vector<1x1600xf32>
      %get3A_385 = vector.shape_cast %get3A_384 : vector<1x1600xf32> to vector<1600xf32>
      %slice3A_386 = vector.extract_strided_slice %dot_general3A_377 {offsets = [0, 0], sizes = [384, 1600], strides = [1, 1]} : vector<768x1600xf32> to vector<384x1600xf32>
      %broadcast_in_dim3A_387 = vector.shape_cast %get3A_381 : vector<1600xf32> to vector<1x1600xf32>
      %mul3A_388 = vector.broadcast %broadcast_in_dim3A_387 : vector<1x1600xf32> to vector<384x1600xf32>
      %mul3A_389 = arith.mulf %slice3A_386, %mul3A_388 : vector<384x1600xf32>
      %slice3A_390 = vector.extract_strided_slice %dot_general3A_377 {offsets = [384, 0], sizes = [384, 1600], strides = [1, 1]} : vector<768x1600xf32> to vector<384x1600xf32>
      %broadcast_in_dim3A_391 = vector.shape_cast %get3A_385 : vector<1600xf32> to vector<1x1600xf32>
      %mul3A_392 = vector.broadcast %broadcast_in_dim3A_391 : vector<1x1600xf32> to vector<384x1600xf32>
      %mul3A_393 = arith.mulf %slice3A_390, %mul3A_392 : vector<384x1600xf32>
      %add3A_394 = arith.addf %mul3A_389, %mul3A_393 : vector<384x1600xf32>
      %max3A_395 = arith.constant 0.000000e+00 : f32
      %max3A_396 = vector.broadcast %max3A_395 : f32 to vector<384x1600xf32>
      %max3A_397 = arith.maximumf %add3A_394, %max3A_396 : vector<384x1600xf32>
      %tanh3A_398 = math.tanh %max3A_397 : vector<384x1600xf32>
      %convert_element_type3A_399 = arith.truncf %tanh3A_398 : vector<384x1600xf32> to vector<384x1600xbf16>
      %swap3A_400 = arith.constant 0 : index
      %swap3A_401 = arith.constant 8000 : index
      %swap3A_402 = vector.load %arg8[%swap3A_400, %swap3A_401] : memref<384x20800xbf16, #tpu.memory_space<vmem>>, vector<384x1600xbf16>
      tpu.vector_store %arg8[%swap3A_400, %swap3A_401], %convert_element_type3A_399 {strides = array<i32>} : memref<384x20800xbf16, #tpu.memory_space<vmem>>, vector<384x1600xbf16>,
      %iota3A_403 = tpu.iota {dimensions = array<i32: 0>} : vector<325x1600xi32>
      %iota3A_404 = tpu.iota {dimensions = array<i32: 1>} : vector<325x1600xi32>
      %jit3A_405 = arith.constant 64 : i32
      %div3A_406 = vector.broadcast %jit3A_405 : i32 to vector<325x1600xi32>
      %div3A_407 = arith.divsi %iota3A_404, %div3A_406 : vector<325x1600xi32>
      %sign3A_408 = arith.constant 0 : i32
      %sign3A_409 = vector.broadcast %sign3A_408 : i32 to vector<325x1600xi32>
      %sign3A_410 = arith.cmpi sgt, %iota3A_404, %sign3A_409 : vector<325x1600xi32>
      %sign3A_411 = arith.extui %sign3A_410 : vector<325x1600xi1> to vector<325x1600xi32>
      %sign3A_412 = arith.constant 0 : i32
      %sign3A_413 = vector.broadcast %sign3A_412 : i32 to vector<325x1600xi32>
      %sign3A_414 = arith.cmpi slt, %iota3A_404, %sign3A_413 : vector<325x1600xi32>
      %sign3A_415 = arith.extui %sign3A_414 : vector<325x1600xi1> to vector<325x1600xi32>
      %sign3A_416 = arith.subi %sign3A_411, %sign3A_415 : vector<325x1600xi32>
      %sign3A_417 = arith.constant 0 : i32
      %sign3A_418 = arith.cmpi sgt, %jit3A_405, %sign3A_417 : i32
      %sign3A_419 = arith.extui %sign3A_418 : i1 to i32
      %sign3A_420 = arith.constant 0 : i32
      %sign3A_421 = arith.cmpi slt, %jit3A_405, %sign3A_420 : i32
      %sign3A_422 = arith.extui %sign3A_421 : i1 to i32
      %sign3A_423 = arith.subi %sign3A_419, %sign3A_422 : i32
      %ne3A_424 = vector.broadcast %sign3A_423 : i32 to vector<325x1600xi32>
      %ne3A_425 = arith.cmpi ne, %sign3A_416, %ne3A_424 : vector<325x1600xi32>
      %rem3A_426 = vector.broadcast %jit3A_405 : i32 to vector<325x1600xi32>
      %rem3A_427 = arith.remsi %iota3A_404, %rem3A_426 : vector<325x1600xi32>
      %ne3A_428 = arith.constant 0 : i32
      %ne3A_429 = vector.broadcast %ne3A_428 : i32 to vector<325x1600xi32>
      %ne3A_430 = arith.cmpi ne, %rem3A_427, %ne3A_429 : vector<325x1600xi32>
      %and3A_431 = arith.andi %ne3A_425, %ne3A_430 : vector<325x1600xi1>
      %sub3A_432 = arith.constant 1 : i32
      %sub3A_433 = vector.broadcast %sub3A_432 : i32 to vector<325x1600xi32>
      %sub3A_434 = arith.subi %div3A_407, %sub3A_433 : vector<325x1600xi32>
      %select_n3A_435 = arith.select %and3A_431, %sub3A_434, %div3A_407 : vector<325x1600xi1>, vector<325x1600xi32>
      %add3A_436 = arith.constant 150 : i32
      %add3A_437 = vector.broadcast %add3A_436 : i32 to vector<325x1600xi32>
      %add3A_438 = arith.addi %add3A_437, %select_n3A_435 : vector<325x1600xi32>
      %eq3A_439 = arith.cmpi eq, %iota3A_403, %add3A_438 : vector<325x1600xi32>
      %convert_element_type3A_440 = arith.extui %eq3A_439 : vector<325x1600xi1> to vector<325x1600xi32>
      %convert_element_type3A_441 = arith.sitofp %convert_element_type3A_440 : vector<325x1600xi32> to vector<325x1600xf32>
      %dot_general3A_442 = arith.constant dense<0.000000e+00> : vector<768x1600xf32>
      %dot_general3A_443 = tpu.matmul %concatenate3A, %convert_element_type3A_441, %dot_general3A_442 {dimension_numbers = #tpu.dot_dimension_numbers<[1], [0], [0], [1], [0, 0, 1, 1], [], []>, transpose_lhs_hint = false} : vector<768x325xf32>, vector<325x1600xf32>, vector<768x1600xf32> -> vector<768x1600xf32>
      %get3A_444 = arith.constant 0 : index
      %get3A_445 = arith.constant 9600 : index
      %get3A_446 = vector.load %arg3[%get3A_444, %get3A_445] : memref<1x20800xf32, #tpu.memory_space<vmem>>, vector<1x1600xf32>
      %get3A_447 = vector.shape_cast %get3A_446 : vector<1x1600xf32> to vector<1600xf32>
      %get3A_448 = arith.constant 0 : index
      %get3A_449 = arith.constant 9600 : index
      %get3A_450 = vector.load %arg4[%get3A_448, %get3A_449] : memref<1x20800xf32, #tpu.memory_space<vmem>>, vector<1x1600xf32>
      %get3A_451 = vector.shape_cast %get3A_450 : vector<1x1600xf32> to vector<1600xf32>
      %slice3A_452 = vector.extract_strided_slice %dot_general3A_443 {offsets = [0, 0], sizes = [384, 1600], strides = [1, 1]} : vector<768x1600xf32> to vector<384x1600xf32>
      %broadcast_in_dim3A_453 = vector.shape_cast %get3A_447 : vector<1600xf32> to vector<1x1600xf32>
      %mul3A_454 = vector.broadcast %broadcast_in_dim3A_453 : vector<1x1600xf32> to vector<384x1600xf32>
      %mul3A_455 = arith.mulf %slice3A_452, %mul3A_454 : vector<384x1600xf32>
      %slice3A_456 = vector.extract_strided_slice %dot_general3A_443 {offsets = [384, 0], sizes = [384, 1600], strides = [1, 1]} : vector<768x1600xf32> to vector<384x1600xf32>
      %broadcast_in_dim3A_457 = vector.shape_cast %get3A_451 : vector<1600xf32> to vector<1x1600xf32>
      %mul3A_458 = vector.broadcast %broadcast_in_dim3A_457 : vector<1x1600xf32> to vector<384x1600xf32>
      %mul3A_459 = arith.mulf %slice3A_456, %mul3A_458 : vector<384x1600xf32>
      %add3A_460 = arith.addf %mul3A_455, %mul3A_459 : vector<384x1600xf32>
      %max3A_461 = arith.constant 0.000000e+00 : f32
      %max3A_462 = vector.broadcast %max3A_461 : f32 to vector<384x1600xf32>
      %max3A_463 = arith.maximumf %add3A_460, %max3A_462 : vector<384x1600xf32>
      %tanh3A_464 = math.tanh %max3A_463 : vector<384x1600xf32>
      %convert_element_type3A_465 = arith.truncf %tanh3A_464 : vector<384x1600xf32> to vector<384x1600xbf16>
      %swap3A_466 = arith.constant 0 : index
      %swap3A_467 = arith.constant 9600 : index
      %swap3A_468 = vector.load %arg8[%swap3A_466, %swap3A_467] : memref<384x20800xbf16, #tpu.memory_space<vmem>>, vector<384x1600xbf16>
      tpu.vector_store %arg8[%swap3A_466, %swap3A_467], %convert_element_type3A_465 {strides = array<i32>} : memref<384x20800xbf16, #tpu.memory_space<vmem>>, vector<384x1600xbf16>,
      %iota3A_469 = tpu.iota {dimensions = array<i32: 0>} : vector<325x1600xi32>
      %iota3A_470 = tpu.iota {dimensions = array<i32: 1>} : vector<325x1600xi32>
      %jit3A_471 = arith.constant 64 : i32
      %div3A_472 = vector.broadcast %jit3A_471 : i32 to vector<325x1600xi32>
      %div3A_473 = arith.divsi %iota3A_470, %div3A_472 : vector<325x1600xi32>
      %sign3A_474 = arith.constant 0 : i32
      %sign3A_475 = vector.broadcast %sign3A_474 : i32 to vector<325x1600xi32>
      %sign3A_476 = arith.cmpi sgt, %iota3A_470, %sign3A_475 : vector<325x1600xi32>
      %sign3A_477 = arith.extui %sign3A_476 : vector<325x1600xi1> to vector<325x1600xi32>
      %sign3A_478 = arith.constant 0 : i32
      %sign3A_479 = vector.broadcast %sign3A_478 : i32 to vector<325x1600xi32>
      %sign3A_480 = arith.cmpi slt, %iota3A_470, %sign3A_479 : vector<325x1600xi32>
      %sign3A_481 = arith.extui %sign3A_480 : vector<325x1600xi1> to vector<325x1600xi32>
      %sign3A_482 = arith.subi %sign3A_477, %sign3A_481 : vector<325x1600xi32>
      %sign3A_483 = arith.constant 0 : i32
      %sign3A_484 = arith.cmpi sgt, %jit3A_471, %sign3A_483 : i32
      %sign3A_485 = arith.extui %sign3A_484 : i1 to i32
      %sign3A_486 = arith.constant 0 : i32
      %sign3A_487 = arith.cmpi slt, %jit3A_471, %sign3A_486 : i32
      %sign3A_488 = arith.extui %sign3A_487 : i1 to i32
      %sign3A_489 = arith.subi %sign3A_485, %sign3A_488 : i32
      %ne3A_490 = vector.broadcast %sign3A_489 : i32 to vector<325x1600xi32>
      %ne3A_491 = arith.cmpi ne, %sign3A_482, %ne3A_490 : vector<325x1600xi32>
      %rem3A_492 = vector.broadcast %jit3A_471 : i32 to vector<325x1600xi32>
      %rem3A_493 = arith.remsi %iota3A_470, %rem3A_492 : vector<325x1600xi32>
      %ne3A_494 = arith.constant 0 : i32
      %ne3A_495 = vector.broadcast %ne3A_494 : i32 to vector<325x1600xi32>
      %ne3A_496 = arith.cmpi ne, %rem3A_493, %ne3A_495 : vector<325x1600xi32>
      %and3A_497 = arith.andi %ne3A_491, %ne3A_496 : vector<325x1600xi1>
      %sub3A_498 = arith.constant 1 : i32
      %sub3A_499 = vector.broadcast %sub3A_498 : i32 to vector<325x1600xi32>
      %sub3A_500 = arith.subi %div3A_473, %sub3A_499 : vector<325x1600xi32>
      %select_n3A_501 = arith.select %and3A_497, %sub3A_500, %div3A_473 : vector<325x1600xi1>, vector<325x1600xi32>
      %add3A_502 = arith.constant 175 : i32
      %add3A_503 = vector.broadcast %add3A_502 : i32 to vector<325x1600xi32>
      %add3A_504 = arith.addi %add3A_503, %select_n3A_501 : vector<325x1600xi32>
      %eq3A_505 = arith.cmpi eq, %iota3A_469, %add3A_504 : vector<325x1600xi32>
      %convert_element_type3A_506 = arith.extui %eq3A_505 : vector<325x1600xi1> to vector<325x1600xi32>
      %convert_element_type3A_507 = arith.sitofp %convert_element_type3A_506 : vector<325x1600xi32> to vector<325x1600xf32>
      %dot_general3A_508 = arith.constant dense<0.000000e+00> : vector<768x1600xf32>
      %dot_general3A_509 = tpu.matmul %concatenate3A, %convert_element_type3A_507, %dot_general3A_508 {dimension_numbers = #tpu.dot_dimension_numbers<[1], [0], [0], [1], [0, 0, 1, 1], [], []>, transpose_lhs_hint = false} : vector<768x325xf32>, vector<325x1600xf32>, vector<768x1600xf32> -> vector<768x1600xf32>
      %get3A_510 = arith.constant 0 : index
      %get3A_511 = arith.constant 11200 : index
      %get3A_512 = vector.load %arg3[%get3A_510, %get3A_511] : memref<1x20800xf32, #tpu.memory_space<vmem>>, vector<1x1600xf32>
      %get3A_513 = vector.shape_cast %get3A_512 : vector<1x1600xf32> to vector<1600xf32>
      %get3A_514 = arith.constant 0 : index
      %get3A_515 = arith.constant 11200 : index
      %get3A_516 = vector.load %arg4[%get3A_514, %get3A_515] : memref<1x20800xf32, #tpu.memory_space<vmem>>, vector<1x1600xf32>
      %get3A_517 = vector.shape_cast %get3A_516 : vector<1x1600xf32> to vector<1600xf32>
      %slice3A_518 = vector.extract_strided_slice %dot_general3A_509 {offsets = [0, 0], sizes = [384, 1600], strides = [1, 1]} : vector<768x1600xf32> to vector<384x1600xf32>
      %broadcast_in_dim3A_519 = vector.shape_cast %get3A_513 : vector<1600xf32> to vector<1x1600xf32>
      %mul3A_520 = vector.broadcast %broadcast_in_dim3A_519 : vector<1x1600xf32> to vector<384x1600xf32>
      %mul3A_521 = arith.mulf %slice3A_518, %mul3A_520 : vector<384x1600xf32>
      %slice3A_522 = vector.extract_strided_slice %dot_general3A_509 {offsets = [384, 0], sizes = [384, 1600], strides = [1, 1]} : vector<768x1600xf32> to vector<384x1600xf32>
      %broadcast_in_dim3A_523 = vector.shape_cast %get3A_517 : vector<1600xf32> to vector<1x1600xf32>
      %mul3A_524 = vector.broadcast %broadcast_in_dim3A_523 : vector<1x1600xf32> to vector<384x1600xf32>
      %mul3A_525 = arith.mulf %slice3A_522, %mul3A_524 : vector<384x1600xf32>
      %add3A_526 = arith.addf %mul3A_521, %mul3A_525 : vector<384x1600xf32>
      %max3A_527 = arith.constant 0.000000e+00 : f32
      %max3A_528 = vector.broadcast %max3A_527 : f32 to vector<384x1600xf32>
      %max3A_529 = arith.maximumf %add3A_526, %max3A_528 : vector<384x1600xf32>
      %tanh3A_530 = math.tanh %max3A_529 : vector<384x1600xf32>
      %convert_element_type3A_531 = arith.truncf %tanh3A_530 : vector<384x1600xf32> to vector<384x1600xbf16>
      %swap3A_532 = arith.constant 0 : index
      %swap3A_533 = arith.constant 11200 : index
      %swap3A_534 = vector.load %arg8[%swap3A_532, %swap3A_533] : memref<384x20800xbf16, #tpu.memory_space<vmem>>, vector<384x1600xbf16>
      tpu.vector_store %arg8[%swap3A_532, %swap3A_533], %convert_element_type3A_531 {strides = array<i32>} : memref<384x20800xbf16, #tpu.memory_space<vmem>>, vector<384x1600xbf16>,
      %iota3A_535 = tpu.iota {dimensions = array<i32: 0>} : vector<325x1600xi32>
      %iota3A_536 = tpu.iota {dimensions = array<i32: 1>} : vector<325x1600xi32>
      %jit3A_537 = arith.constant 64 : i32
      %div3A_538 = vector.broadcast %jit3A_537 : i32 to vector<325x1600xi32>
      %div3A_539 = arith.divsi %iota3A_536, %div3A_538 : vector<325x1600xi32>
      %sign3A_540 = arith.constant 0 : i32
      %sign3A_541 = vector.broadcast %sign3A_540 : i32 to vector<325x1600xi32>
      %sign3A_542 = arith.cmpi sgt, %iota3A_536, %sign3A_541 : vector<325x1600xi32>
      %sign3A_543 = arith.extui %sign3A_542 : vector<325x1600xi1> to vector<325x1600xi32>
      %sign3A_544 = arith.constant 0 : i32
      %sign3A_545 = vector.broadcast %sign3A_544 : i32 to vector<325x1600xi32>
      %sign3A_546 = arith.cmpi slt, %iota3A_536, %sign3A_545 : vector<325x1600xi32>
      %sign3A_547 = arith.extui %sign3A_546 : vector<325x1600xi1> to vector<325x1600xi32>
      %sign3A_548 = arith.subi %sign3A_543, %sign3A_547 : vector<325x1600xi32>
      %sign3A_549 = arith.constant 0 : i32
      %sign3A_550 = arith.cmpi sgt, %jit3A_537, %sign3A_549 : i32
      %sign3A_551 = arith.extui %sign3A_550 : i1 to i32
      %sign3A_552 = arith.constant 0 : i32
      %sign3A_553 = arith.cmpi slt, %jit3A_537, %sign3A_552 : i32
      %sign3A_554 = arith.extui %sign3A_553 : i1 to i32
      %sign3A_555 = arith.subi %sign3A_551, %sign3A_554 : i32
      %ne3A_556 = vector.broadcast %sign3A_555 : i32 to vector<325x1600xi32>
      %ne3A_557 = arith.cmpi ne, %sign3A_548, %ne3A_556 : vector<325x1600xi32>
      %rem3A_558 = vector.broadcast %jit3A_537 : i32 to vector<325x1600xi32>
      %rem3A_559 = arith.remsi %iota3A_536, %rem3A_558 : vector<325x1600xi32>
      %ne3A_560 = arith.constant 0 : i32
      %ne3A_561 = vector.broadcast %ne3A_560 : i32 to vector<325x1600xi32>
      %ne3A_562 = arith.cmpi ne, %rem3A_559, %ne3A_561 : vector<325x1600xi32>
      %and3A_563 = arith.andi %ne3A_557, %ne3A_562 : vector<325x1600xi1>
      %sub3A_564 = arith.constant 1 : i32
      %sub3A_565 = vector.broadcast %sub3A_564 : i32 to vector<325x1600xi32>
      %sub3A_566 = arith.subi %div3A_539, %sub3A_565 : vector<325x1600xi32>
      %select_n3A_567 = arith.select %and3A_563, %sub3A_566, %div3A_539 : vector<325x1600xi1>, vector<325x1600xi32>
      %add3A_568 = arith.constant 200 : i32
      %add3A_569 = vector.broadcast %add3A_568 : i32 to vector<325x1600xi32>
      %add3A_570 = arith.addi %add3A_569, %select_n3A_567 : vector<325x1600xi32>
      %eq3A_571 = arith.cmpi eq, %iota3A_535, %add3A_570 : vector<325x1600xi32>
      %convert_element_type3A_572 = arith.extui %eq3A_571 : vector<325x1600xi1> to vector<325x1600xi32>
      %convert_element_type3A_573 = arith.sitofp %convert_element_type3A_572 : vector<325x1600xi32> to vector<325x1600xf32>
      %dot_general3A_574 = arith.constant dense<0.000000e+00> : vector<768x1600xf32>
      %dot_general3A_575 = tpu.matmul %concatenate3A, %convert_element_type3A_573, %dot_general3A_574 {dimension_numbers = #tpu.dot_dimension_numbers<[1], [0], [0], [1], [0, 0, 1, 1], [], []>, transpose_lhs_hint = false} : vector<768x325xf32>, vector<325x1600xf32>, vector<768x1600xf32> -> vector<768x1600xf32>
      %get3A_576 = arith.constant 0 : index
      %get3A_577 = arith.constant 12800 : index
      %get3A_578 = vector.load %arg3[%get3A_576, %get3A_577] : memref<1x20800xf32, #tpu.memory_space<vmem>>, vector<1x1600xf32>
      %get3A_579 = vector.shape_cast %get3A_578 : vector<1x1600xf32> to vector<1600xf32>
      %get3A_580 = arith.constant 0 : index
      %get3A_581 = arith.constant 12800 : index
      %get3A_582 = vector.load %arg4[%get3A_580, %get3A_581] : memref<1x20800xf32, #tpu.memory_space<vmem>>, vector<1x1600xf32>
      %get3A_583 = vector.shape_cast %get3A_582 : vector<1x1600xf32> to vector<1600xf32>
      %slice3A_584 = vector.extract_strided_slice %dot_general3A_575 {offsets = [0, 0], sizes = [384, 1600], strides = [1, 1]} : vector<768x1600xf32> to vector<384x1600xf32>
      %broadcast_in_dim3A_585 = vector.shape_cast %get3A_579 : vector<1600xf32> to vector<1x1600xf32>
      %mul3A_586 = vector.broadcast %broadcast_in_dim3A_585 : vector<1x1600xf32> to vector<384x1600xf32>
      %mul3A_587 = arith.mulf %slice3A_584, %mul3A_586 : vector<384x1600xf32>
      %slice3A_588 = vector.extract_strided_slice %dot_general3A_575 {offsets = [384, 0], sizes = [384, 1600], strides = [1, 1]} : vector<768x1600xf32> to vector<384x1600xf32>
      %broadcast_in_dim3A_589 = vector.shape_cast %get3A_583 : vector<1600xf32> to vector<1x1600xf32>
      %mul3A_590 = vector.broadcast %broadcast_in_dim3A_589 : vector<1x1600xf32> to vector<384x1600xf32>
      %mul3A_591 = arith.mulf %slice3A_588, %mul3A_590 : vector<384x1600xf32>
      %add3A_592 = arith.addf %mul3A_587, %mul3A_591 : vector<384x1600xf32>
      %max3A_593 = arith.constant 0.000000e+00 : f32
      %max3A_594 = vector.broadcast %max3A_593 : f32 to vector<384x1600xf32>
      %max3A_595 = arith.maximumf %add3A_592, %max3A_594 : vector<384x1600xf32>
      %tanh3A_596 = math.tanh %max3A_595 : vector<384x1600xf32>
      %convert_element_type3A_597 = arith.truncf %tanh3A_596 : vector<384x1600xf32> to vector<384x1600xbf16>
      %swap3A_598 = arith.constant 0 : index
      %swap3A_599 = arith.constant 12800 : index
      %swap3A_600 = vector.load %arg8[%swap3A_598, %swap3A_599] : memref<384x20800xbf16, #tpu.memory_space<vmem>>, vector<384x1600xbf16>
      tpu.vector_store %arg8[%swap3A_598, %swap3A_599], %convert_element_type3A_597 {strides = array<i32>} : memref<384x20800xbf16, #tpu.memory_space<vmem>>, vector<384x1600xbf16>,
      %iota3A_601 = tpu.iota {dimensions = array<i32: 0>} : vector<325x1600xi32>
      %iota3A_602 = tpu.iota {dimensions = array<i32: 1>} : vector<325x1600xi32>
      %jit3A_603 = arith.constant 64 : i32
      %div3A_604 = vector.broadcast %jit3A_603 : i32 to vector<325x1600xi32>
      %div3A_605 = arith.divsi %iota3A_602, %div3A_604 : vector<325x1600xi32>
      %sign3A_606 = arith.constant 0 : i32
      %sign3A_607 = vector.broadcast %sign3A_606 : i32 to vector<325x1600xi32>
      %sign3A_608 = arith.cmpi sgt, %iota3A_602, %sign3A_607 : vector<325x1600xi32>
      %sign3A_609 = arith.extui %sign3A_608 : vector<325x1600xi1> to vector<325x1600xi32>
      %sign3A_610 = arith.constant 0 : i32
      %sign3A_611 = vector.broadcast %sign3A_610 : i32 to vector<325x1600xi32>
      %sign3A_612 = arith.cmpi slt, %iota3A_602, %sign3A_611 : vector<325x1600xi32>
      %sign3A_613 = arith.extui %sign3A_612 : vector<325x1600xi1> to vector<325x1600xi32>
      %sign3A_614 = arith.subi %sign3A_609, %sign3A_613 : vector<325x1600xi32>
      %sign3A_615 = arith.constant 0 : i32
      %sign3A_616 = arith.cmpi sgt, %jit3A_603, %sign3A_615 : i32
      %sign3A_617 = arith.extui %sign3A_616 : i1 to i32
      %sign3A_618 = arith.constant 0 : i32
      %sign3A_619 = arith.cmpi slt, %jit3A_603, %sign3A_618 : i32
      %sign3A_620 = arith.extui %sign3A_619 : i1 to i32
      %sign3A_621 = arith.subi %sign3A_617, %sign3A_620 : i32
      %ne3A_622 = vector.broadcast %sign3A_621 : i32 to vector<325x1600xi32>
      %ne3A_623 = arith.cmpi ne, %sign3A_614, %ne3A_622 : vector<325x1600xi32>
      %rem3A_624 = vector.broadcast %jit3A_603 : i32 to vector<325x1600xi32>
      %rem3A_625 = arith.remsi %iota3A_602, %rem3A_624 : vector<325x1600xi32>
      %ne3A_626 = arith.constant 0 : i32
      %ne3A_627 = vector.broadcast %ne3A_626 : i32 to vector<325x1600xi32>
      %ne3A_628 = arith.cmpi ne, %rem3A_625, %ne3A_627 : vector<325x1600xi32>
      %and3A_629 = arith.andi %ne3A_623, %ne3A_628 : vector<325x1600xi1>
      %sub3A_630 = arith.constant 1 : i32
      %sub3A_631 = vector.broadcast %sub3A_630 : i32 to vector<325x1600xi32>
      %sub3A_632 = arith.subi %div3A_605, %sub3A_631 : vector<325x1600xi32>
      %select_n3A_633 = arith.select %and3A_629, %sub3A_632, %div3A_605 : vector<325x1600xi1>, vector<325x1600xi32>
      %add3A_634 = arith.constant 225 : i32
      %add3A_635 = vector.broadcast %add3A_634 : i32 to vector<325x1600xi32>
      %add3A_636 = arith.addi %add3A_635, %select_n3A_633 : vector<325x1600xi32>
      %eq3A_637 = arith.cmpi eq, %iota3A_601, %add3A_636 : vector<325x1600xi32>
      %convert_element_type3A_638 = arith.extui %eq3A_637 : vector<325x1600xi1> to vector<325x1600xi32>
      %convert_element_type3A_639 = arith.sitofp %convert_element_type3A_638 : vector<325x1600xi32> to vector<325x1600xf32>
      %dot_general3A_640 = arith.constant dense<0.000000e+00> : vector<768x1600xf32>
      %dot_general3A_641 = tpu.matmul %concatenate3A, %convert_element_type3A_639, %dot_general3A_640 {dimension_numbers = #tpu.dot_dimension_numbers<[1], [0], [0], [1], [0, 0, 1, 1], [], []>, transpose_lhs_hint = false} : vector<768x325xf32>, vector<325x1600xf32>, vector<768x1600xf32> -> vector<768x1600xf32>
      %get3A_642 = arith.constant 0 : index
      %get3A_643 = arith.constant 14400 : index
      %get3A_644 = vector.load %arg3[%get3A_642, %get3A_643] : memref<1x20800xf32, #tpu.memory_space<vmem>>, vector<1x1600xf32>
      %get3A_645 = vector.shape_cast %get3A_644 : vector<1x1600xf32> to vector<1600xf32>
      %get3A_646 = arith.constant 0 : index
      %get3A_647 = arith.constant 14400 : index
      %get3A_648 = vector.load %arg4[%get3A_646, %get3A_647] : memref<1x20800xf32, #tpu.memory_space<vmem>>, vector<1x1600xf32>
      %get3A_649 = vector.shape_cast %get3A_648 : vector<1x1600xf32> to vector<1600xf32>
      %slice3A_650 = vector.extract_strided_slice %dot_general3A_641 {offsets = [0, 0], sizes = [384, 1600], strides = [1, 1]} : vector<768x1600xf32> to vector<384x1600xf32>
      %broadcast_in_dim3A_651 = vector.shape_cast %get3A_645 : vector<1600xf32> to vector<1x1600xf32>
      %mul3A_652 = vector.broadcast %broadcast_in_dim3A_651 : vector<1x1600xf32> to vector<384x1600xf32>
      %mul3A_653 = arith.mulf %slice3A_650, %mul3A_652 : vector<384x1600xf32>
      %slice3A_654 = vector.extract_strided_slice %dot_general3A_641 {offsets = [384, 0], sizes = [384, 1600], strides = [1, 1]} : vector<768x1600xf32> to vector<384x1600xf32>
      %broadcast_in_dim3A_655 = vector.shape_cast %get3A_649 : vector<1600xf32> to vector<1x1600xf32>
      %mul3A_656 = vector.broadcast %broadcast_in_dim3A_655 : vector<1x1600xf32> to vector<384x1600xf32>
      %mul3A_657 = arith.mulf %slice3A_654, %mul3A_656 : vector<384x1600xf32>
      %add3A_658 = arith.addf %mul3A_653, %mul3A_657 : vector<384x1600xf32>
      %max3A_659 = arith.constant 0.000000e+00 : f32
      %max3A_660 = vector.broadcast %max3A_659 : f32 to vector<384x1600xf32>
      %max3A_661 = arith.maximumf %add3A_658, %max3A_660 : vector<384x1600xf32>
      %tanh3A_662 = math.tanh %max3A_661 : vector<384x1600xf32>
      %convert_element_type3A_663 = arith.truncf %tanh3A_662 : vector<384x1600xf32> to vector<384x1600xbf16>
      %swap3A_664 = arith.constant 0 : index
      %swap3A_665 = arith.constant 14400 : index
      %swap3A_666 = vector.load %arg8[%swap3A_664, %swap3A_665] : memref<384x20800xbf16, #tpu.memory_space<vmem>>, vector<384x1600xbf16>
      tpu.vector_store %arg8[%swap3A_664, %swap3A_665], %convert_element_type3A_663 {strides = array<i32>} : memref<384x20800xbf16, #tpu.memory_space<vmem>>, vector<384x1600xbf16>,
      %iota3A_667 = tpu.iota {dimensions = array<i32: 0>} : vector<325x1600xi32>
      %iota3A_668 = tpu.iota {dimensions = array<i32: 1>} : vector<325x1600xi32>
      %jit3A_669 = arith.constant 64 : i32
      %div3A_670 = vector.broadcast %jit3A_669 : i32 to vector<325x1600xi32>
      %div3A_671 = arith.divsi %iota3A_668, %div3A_670 : vector<325x1600xi32>
      %sign3A_672 = arith.constant 0 : i32
      %sign3A_673 = vector.broadcast %sign3A_672 : i32 to vector<325x1600xi32>
      %sign3A_674 = arith.cmpi sgt, %iota3A_668, %sign3A_673 : vector<325x1600xi32>
      %sign3A_675 = arith.extui %sign3A_674 : vector<325x1600xi1> to vector<325x1600xi32>
      %sign3A_676 = arith.constant 0 : i32
      %sign3A_677 = vector.broadcast %sign3A_676 : i32 to vector<325x1600xi32>
      %sign3A_678 = arith.cmpi slt, %iota3A_668, %sign3A_677 : vector<325x1600xi32>
      %sign3A_679 = arith.extui %sign3A_678 : vector<325x1600xi1> to vector<325x1600xi32>
      %sign3A_680 = arith.subi %sign3A_675, %sign3A_679 : vector<325x1600xi32>
      %sign3A_681 = arith.constant 0 : i32
      %sign3A_682 = arith.cmpi sgt, %jit3A_669, %sign3A_681 : i32
      %sign3A_683 = arith.extui %sign3A_682 : i1 to i32
      %sign3A_684 = arith.constant 0 : i32
      %sign3A_685 = arith.cmpi slt, %jit3A_669, %sign3A_684 : i32
      %sign3A_686 = arith.extui %sign3A_685 : i1 to i32
      %sign3A_687 = arith.subi %sign3A_683, %sign3A_686 : i32
      %ne3A_688 = vector.broadcast %sign3A_687 : i32 to vector<325x1600xi32>
      %ne3A_689 = arith.cmpi ne, %sign3A_680, %ne3A_688 : vector<325x1600xi32>
      %rem3A_690 = vector.broadcast %jit3A_669 : i32 to vector<325x1600xi32>
      %rem3A_691 = arith.remsi %iota3A_668, %rem3A_690 : vector<325x1600xi32>
      %ne3A_692 = arith.constant 0 : i32
      %ne3A_693 = vector.broadcast %ne3A_692 : i32 to vector<325x1600xi32>
      %ne3A_694 = arith.cmpi ne, %rem3A_691, %ne3A_693 : vector<325x1600xi32>
      %and3A_695 = arith.andi %ne3A_689, %ne3A_694 : vector<325x1600xi1>
      %sub3A_696 = arith.constant 1 : i32
      %sub3A_697 = vector.broadcast %sub3A_696 : i32 to vector<325x1600xi32>
      %sub3A_698 = arith.subi %div3A_671, %sub3A_697 : vector<325x1600xi32>
      %select_n3A_699 = arith.select %and3A_695, %sub3A_698, %div3A_671 : vector<325x1600xi1>, vector<325x1600xi32>
      %add3A_700 = arith.constant 250 : i32
      %add3A_701 = vector.broadcast %add3A_700 : i32 to vector<325x1600xi32>
      %add3A_702 = arith.addi %add3A_701, %select_n3A_699 : vector<325x1600xi32>
      %eq3A_703 = arith.cmpi eq, %iota3A_667, %add3A_702 : vector<325x1600xi32>
      %convert_element_type3A_704 = arith.extui %eq3A_703 : vector<325x1600xi1> to vector<325x1600xi32>
      %convert_element_type3A_705 = arith.sitofp %convert_element_type3A_704 : vector<325x1600xi32> to vector<325x1600xf32>
      %dot_general3A_706 = arith.constant dense<0.000000e+00> : vector<768x1600xf32>
      %dot_general3A_707 = tpu.matmul %concatenate3A, %convert_element_type3A_705, %dot_general3A_706 {dimension_numbers = #tpu.dot_dimension_numbers<[1], [0], [0], [1], [0, 0, 1, 1], [], []>, transpose_lhs_hint = false} : vector<768x325xf32>, vector<325x1600xf32>, vector<768x1600xf32> -> vector<768x1600xf32>
      %get3A_708 = arith.constant 0 : index
      %get3A_709 = arith.constant 16000 : index
      %get3A_710 = vector.load %arg3[%get3A_708, %get3A_709] : memref<1x20800xf32, #tpu.memory_space<vmem>>, vector<1x1600xf32>
      %get3A_711 = vector.shape_cast %get3A_710 : vector<1x1600xf32> to vector<1600xf32>
      %get3A_712 = arith.constant 0 : index
      %get3A_713 = arith.constant 16000 : index
      %get3A_714 = vector.load %arg4[%get3A_712, %get3A_713] : memref<1x20800xf32, #tpu.memory_space<vmem>>, vector<1x1600xf32>
      %get3A_715 = vector.shape_cast %get3A_714 : vector<1x1600xf32> to vector<1600xf32>
      %slice3A_716 = vector.extract_strided_slice %dot_general3A_707 {offsets = [0, 0], sizes = [384, 1600], strides = [1, 1]} : vector<768x1600xf32> to vector<384x1600xf32>
      %broadcast_in_dim3A_717 = vector.shape_cast %get3A_711 : vector<1600xf32> to vector<1x1600xf32>
      %mul3A_718 = vector.broadcast %broadcast_in_dim3A_717 : vector<1x1600xf32> to vector<384x1600xf32>
      %mul3A_719 = arith.mulf %slice3A_716, %mul3A_718 : vector<384x1600xf32>
      %slice3A_720 = vector.extract_strided_slice %dot_general3A_707 {offsets = [384, 0], sizes = [384, 1600], strides = [1, 1]} : vector<768x1600xf32> to vector<384x1600xf32>
      %broadcast_in_dim3A_721 = vector.shape_cast %get3A_715 : vector<1600xf32> to vector<1x1600xf32>
      %mul3A_722 = vector.broadcast %broadcast_in_dim3A_721 : vector<1x1600xf32> to vector<384x1600xf32>
      %mul3A_723 = arith.mulf %slice3A_720, %mul3A_722 : vector<384x1600xf32>
      %add3A_724 = arith.addf %mul3A_719, %mul3A_723 : vector<384x1600xf32>
      %max3A_725 = arith.constant 0.000000e+00 : f32
      %max3A_726 = vector.broadcast %max3A_725 : f32 to vector<384x1600xf32>
      %max3A_727 = arith.maximumf %add3A_724, %max3A_726 : vector<384x1600xf32>
      %tanh3A_728 = math.tanh %max3A_727 : vector<384x1600xf32>
      %convert_element_type3A_729 = arith.truncf %tanh3A_728 : vector<384x1600xf32> to vector<384x1600xbf16>
      %swap3A_730 = arith.constant 0 : index
      %swap3A_731 = arith.constant 16000 : index
      %swap3A_732 = vector.load %arg8[%swap3A_730, %swap3A_731] : memref<384x20800xbf16, #tpu.memory_space<vmem>>, vector<384x1600xbf16>
      tpu.vector_store %arg8[%swap3A_730, %swap3A_731], %convert_element_type3A_729 {strides = array<i32>} : memref<384x20800xbf16, #tpu.memory_space<vmem>>, vector<384x1600xbf16>,
      %iota3A_733 = tpu.iota {dimensions = array<i32: 0>} : vector<325x1600xi32>
      %iota3A_734 = tpu.iota {dimensions = array<i32: 1>} : vector<325x1600xi32>
      %jit3A_735 = arith.constant 64 : i32
      %div3A_736 = vector.broadcast %jit3A_735 : i32 to vector<325x1600xi32>
      %div3A_737 = arith.divsi %iota3A_734, %div3A_736 : vector<325x1600xi32>
      %sign3A_738 = arith.constant 0 : i32
      %sign3A_739 = vector.broadcast %sign3A_738 : i32 to vector<325x1600xi32>
      %sign3A_740 = arith.cmpi sgt, %iota3A_734, %sign3A_739 : vector<325x1600xi32>
      %sign3A_741 = arith.extui %sign3A_740 : vector<325x1600xi1> to vector<325x1600xi32>
      %sign3A_742 = arith.constant 0 : i32
      %sign3A_743 = vector.broadcast %sign3A_742 : i32 to vector<325x1600xi32>
      %sign3A_744 = arith.cmpi slt, %iota3A_734, %sign3A_743 : vector<325x1600xi32>
      %sign3A_745 = arith.extui %sign3A_744 : vector<325x1600xi1> to vector<325x1600xi32>
      %sign3A_746 = arith.subi %sign3A_741, %sign3A_745 : vector<325x1600xi32>
      %sign3A_747 = arith.constant 0 : i32
      %sign3A_748 = arith.cmpi sgt, %jit3A_735, %sign3A_747 : i32
      %sign3A_749 = arith.extui %sign3A_748 : i1 to i32
      %sign3A_750 = arith.constant 0 : i32
      %sign3A_751 = arith.cmpi slt, %jit3A_735, %sign3A_750 : i32
      %sign3A_752 = arith.extui %sign3A_751 : i1 to i32
      %sign3A_753 = arith.subi %sign3A_749, %sign3A_752 : i32
      %ne3A_754 = vector.broadcast %sign3A_753 : i32 to vector<325x1600xi32>
      %ne3A_755 = arith.cmpi ne, %sign3A_746, %ne3A_754 : vector<325x1600xi32>
      %rem3A_756 = vector.broadcast %jit3A_735 : i32 to vector<325x1600xi32>
      %rem3A_757 = arith.remsi %iota3A_734, %rem3A_756 : vector<325x1600xi32>
      %ne3A_758 = arith.constant 0 : i32
      %ne3A_759 = vector.broadcast %ne3A_758 : i32 to vector<325x1600xi32>
      %ne3A_760 = arith.cmpi ne, %rem3A_757, %ne3A_759 : vector<325x1600xi32>
      %and3A_761 = arith.andi %ne3A_755, %ne3A_760 : vector<325x1600xi1>
      %sub3A_762 = arith.constant 1 : i32
      %sub3A_763 = vector.broadcast %sub3A_762 : i32 to vector<325x1600xi32>
      %sub3A_764 = arith.subi %div3A_737, %sub3A_763 : vector<325x1600xi32>
      %select_n3A_765 = arith.select %and3A_761, %sub3A_764, %div3A_737 : vector<325x1600xi1>, vector<325x1600xi32>
      %add3A_766 = arith.constant 275 : i32
      %add3A_767 = vector.broadcast %add3A_766 : i32 to vector<325x1600xi32>
      %add3A_768 = arith.addi %add3A_767, %select_n3A_765 : vector<325x1600xi32>
      %eq3A_769 = arith.cmpi eq, %iota3A_733, %add3A_768 : vector<325x1600xi32>
      %convert_element_type3A_770 = arith.extui %eq3A_769 : vector<325x1600xi1> to vector<325x1600xi32>
      %convert_element_type3A_771 = arith.sitofp %convert_element_type3A_770 : vector<325x1600xi32> to vector<325x1600xf32>
      %dot_general3A_772 = arith.constant dense<0.000000e+00> : vector<768x1600xf32>
      %dot_general3A_773 = tpu.matmul %concatenate3A, %convert_element_type3A_771, %dot_general3A_772 {dimension_numbers = #tpu.dot_dimension_numbers<[1], [0], [0], [1], [0, 0, 1, 1], [], []>, transpose_lhs_hint = false} : vector<768x325xf32>, vector<325x1600xf32>, vector<768x1600xf32> -> vector<768x1600xf32>
      %get3A_774 = arith.constant 0 : index
      %get3A_775 = arith.constant 17600 : index
      %get3A_776 = vector.load %arg3[%get3A_774, %get3A_775] : memref<1x20800xf32, #tpu.memory_space<vmem>>, vector<1x1600xf32>
      %get3A_777 = vector.shape_cast %get3A_776 : vector<1x1600xf32> to vector<1600xf32>
      %get3A_778 = arith.constant 0 : index
      %get3A_779 = arith.constant 17600 : index
      %get3A_780 = vector.load %arg4[%get3A_778, %get3A_779] : memref<1x20800xf32, #tpu.memory_space<vmem>>, vector<1x1600xf32>
      %get3A_781 = vector.shape_cast %get3A_780 : vector<1x1600xf32> to vector<1600xf32>
      %slice3A_782 = vector.extract_strided_slice %dot_general3A_773 {offsets = [0, 0], sizes = [384, 1600], strides = [1, 1]} : vector<768x1600xf32> to vector<384x1600xf32>
      %broadcast_in_dim3A_783 = vector.shape_cast %get3A_777 : vector<1600xf32> to vector<1x1600xf32>
      %mul3A_784 = vector.broadcast %broadcast_in_dim3A_783 : vector<1x1600xf32> to vector<384x1600xf32>
      %mul3A_785 = arith.mulf %slice3A_782, %mul3A_784 : vector<384x1600xf32>
      %slice3A_786 = vector.extract_strided_slice %dot_general3A_773 {offsets = [384, 0], sizes = [384, 1600], strides = [1, 1]} : vector<768x1600xf32> to vector<384x1600xf32>
      %broadcast_in_dim3A_787 = vector.shape_cast %get3A_781 : vector<1600xf32> to vector<1x1600xf32>
      %mul3A_788 = vector.broadcast %broadcast_in_dim3A_787 : vector<1x1600xf32> to vector<384x1600xf32>
      %mul3A_789 = arith.mulf %slice3A_786, %mul3A_788 : vector<384x1600xf32>
      %add3A_790 = arith.addf %mul3A_785, %mul3A_789 : vector<384x1600xf32>
      %max3A_791 = arith.constant 0.000000e+00 : f32
      %max3A_792 = vector.broadcast %max3A_791 : f32 to vector<384x1600xf32>
      %max3A_793 = arith.maximumf %add3A_790, %max3A_792 : vector<384x1600xf32>
      %tanh3A_794 = math.tanh %max3A_793 : vector<384x1600xf32>
      %convert_element_type3A_795 = arith.truncf %tanh3A_794 : vector<384x1600xf32> to vector<384x1600xbf16>
      %swap3A_796 = arith.constant 0 : index
      %swap3A_797 = arith.constant 17600 : index
      %swap3A_798 = vector.load %arg8[%swap3A_796, %swap3A_797] : memref<384x20800xbf16, #tpu.memory_space<vmem>>, vector<384x1600xbf16>
      tpu.vector_store %arg8[%swap3A_796, %swap3A_797], %convert_element_type3A_795 {strides = array<i32>} : memref<384x20800xbf16, #tpu.memory_space<vmem>>, vector<384x1600xbf16>,
      %iota3A_799 = tpu.iota {dimensions = array<i32: 0>} : vector<325x1600xi32>
      %iota3A_800 = tpu.iota {dimensions = array<i32: 1>} : vector<325x1600xi32>
      %jit3A_801 = arith.constant 64 : i32
      %div3A_802 = vector.broadcast %jit3A_801 : i32 to vector<325x1600xi32>
      %div3A_803 = arith.divsi %iota3A_800, %div3A_802 : vector<325x1600xi32>
      %sign3A_804 = arith.constant 0 : i32
      %sign3A_805 = vector.broadcast %sign3A_804 : i32 to vector<325x1600xi32>
      %sign3A_806 = arith.cmpi sgt, %iota3A_800, %sign3A_805 : vector<325x1600xi32>
      %sign3A_807 = arith.extui %sign3A_806 : vector<325x1600xi1> to vector<325x1600xi32>
      %sign3A_808 = arith.constant 0 : i32
      %sign3A_809 = vector.broadcast %sign3A_808 : i32 to vector<325x1600xi32>
      %sign3A_810 = arith.cmpi slt, %iota3A_800, %sign3A_809 : vector<325x1600xi32>
      %sign3A_811 = arith.extui %sign3A_810 : vector<325x1600xi1> to vector<325x1600xi32>
      %sign3A_812 = arith.subi %sign3A_807, %sign3A_811 : vector<325x1600xi32>
      %sign3A_813 = arith.constant 0 : i32
      %sign3A_814 = arith.cmpi sgt, %jit3A_801, %sign3A_813 : i32
      %sign3A_815 = arith.extui %sign3A_814 : i1 to i32
      %sign3A_816 = arith.constant 0 : i32
      %sign3A_817 = arith.cmpi slt, %jit3A_801, %sign3A_816 : i32
      %sign3A_818 = arith.extui %sign3A_817 : i1 to i32
      %sign3A_819 = arith.subi %sign3A_815, %sign3A_818 : i32
      %ne3A_820 = vector.broadcast %sign3A_819 : i32 to vector<325x1600xi32>
      %ne3A_821 = arith.cmpi ne, %sign3A_812, %ne3A_820 : vector<325x1600xi32>
      %rem3A_822 = vector.broadcast %jit3A_801 : i32 to vector<325x1600xi32>
      %rem3A_823 = arith.remsi %iota3A_800, %rem3A_822 : vector<325x1600xi32>
      %ne3A_824 = arith.constant 0 : i32
      %ne3A_825 = vector.broadcast %ne3A_824 : i32 to vector<325x1600xi32>
      %ne3A_826 = arith.cmpi ne, %rem3A_823, %ne3A_825 : vector<325x1600xi32>
      %and3A_827 = arith.andi %ne3A_821, %ne3A_826 : vector<325x1600xi1>
      %sub3A_828 = arith.constant 1 : i32
      %sub3A_829 = vector.broadcast %sub3A_828 : i32 to vector<325x1600xi32>
      %sub3A_830 = arith.subi %div3A_803, %sub3A_829 : vector<325x1600xi32>
      %select_n3A_831 = arith.select %and3A_827, %sub3A_830, %div3A_803 : vector<325x1600xi1>, vector<325x1600xi32>
      %add3A_832 = arith.constant 300 : i32
      %add3A_833 = vector.broadcast %add3A_832 : i32 to vector<325x1600xi32>
      %add3A_834 = arith.addi %add3A_833, %select_n3A_831 : vector<325x1600xi32>
      %eq3A_835 = arith.cmpi eq, %iota3A_799, %add3A_834 : vector<325x1600xi32>
      %convert_element_type3A_836 = arith.extui %eq3A_835 : vector<325x1600xi1> to vector<325x1600xi32>
      %convert_element_type3A_837 = arith.sitofp %convert_element_type3A_836 : vector<325x1600xi32> to vector<325x1600xf32>
      %dot_general3A_838 = arith.constant dense<0.000000e+00> : vector<768x1600xf32>
      %dot_general3A_839 = tpu.matmul %concatenate3A, %convert_element_type3A_837, %dot_general3A_838 {dimension_numbers = #tpu.dot_dimension_numbers<[1], [0], [0], [1], [0, 0, 1, 1], [], []>, transpose_lhs_hint = false} : vector<768x325xf32>, vector<325x1600xf32>, vector<768x1600xf32> -> vector<768x1600xf32>
      %get3A_840 = arith.constant 0 : index
      %get3A_841 = arith.constant 19200 : index
      %get3A_842 = vector.load %arg3[%get3A_840, %get3A_841] : memref<1x20800xf32, #tpu.memory_space<vmem>>, vector<1x1600xf32>
      %get3A_843 = vector.shape_cast %get3A_842 : vector<1x1600xf32> to vector<1600xf32>
      %get3A_844 = arith.constant 0 : index
      %get3A_845 = arith.constant 19200 : index
      %get3A_846 = vector.load %arg4[%get3A_844, %get3A_845] : memref<1x20800xf32, #tpu.memory_space<vmem>>, vector<1x1600xf32>
      %get3A_847 = vector.shape_cast %get3A_846 : vector<1x1600xf32> to vector<1600xf32>
      %slice3A_848 = vector.extract_strided_slice %dot_general3A_839 {offsets = [0, 0], sizes = [384, 1600], strides = [1, 1]} : vector<768x1600xf32> to vector<384x1600xf32>
      %broadcast_in_dim3A_849 = vector.shape_cast %get3A_843 : vector<1600xf32> to vector<1x1600xf32>
      %mul3A_850 = vector.broadcast %broadcast_in_dim3A_849 : vector<1x1600xf32> to vector<384x1600xf32>
      %mul3A_851 = arith.mulf %slice3A_848, %mul3A_850 : vector<384x1600xf32>
      %slice3A_852 = vector.extract_strided_slice %dot_general3A_839 {offsets = [384, 0], sizes = [384, 1600], strides = [1, 1]} : vector<768x1600xf32> to vector<384x1600xf32>
      %broadcast_in_dim3A_853 = vector.shape_cast %get3A_847 : vector<1600xf32> to vector<1x1600xf32>
      %mul3A_854 = vector.broadcast %broadcast_in_dim3A_853 : vector<1x1600xf32> to vector<384x1600xf32>
      %mul3A_855 = arith.mulf %slice3A_852, %mul3A_854 : vector<384x1600xf32>
      %add3A_856 = arith.addf %mul3A_851, %mul3A_855 : vector<384x1600xf32>
      %max3A_857 = arith.constant 0.000000e+00 : f32
      %max3A_858 = vector.broadcast %max3A_857 : f32 to vector<384x1600xf32>
      %max3A_859 = arith.maximumf %add3A_856, %max3A_858 : vector<384x1600xf32>
      %tanh3A_860 = math.tanh %max3A_859 : vector<384x1600xf32>
      %convert_element_type3A_861 = arith.truncf %tanh3A_860 : vector<384x1600xf32> to vector<384x1600xbf16>
      %swap3A_862 = arith.constant 0 : index
      %swap3A_863 = arith.constant 19200 : index
      %swap3A_864 = vector.load %arg8[%swap3A_862, %swap3A_863] : memref<384x20800xbf16, #tpu.memory_space<vmem>>, vector<384x1600xbf16>
      tpu.vector_store %arg8[%swap3A_862, %swap3A_863], %convert_element_type3A_861 {strides = array<i32>} : memref<384x20800xbf16, #tpu.memory_space<vmem>>, vector<384x1600xbf16>,
    } else {
    }
    %get3A = arith.constant 0 : index
    %get3A_2 = arith.constant 0 : index
    %get3A_3 = vector.load %arg5[%get3A, %get3A_2] : memref<128x20800xf32, #tpu.memory_space<vmem>>, vector<128x20800xf32>
    %convert_element_type3A_4 = arith.truncf %get3A_3 : vector<128x20800xf32> to vector<128x20800xbf16>
    %get3A_5 = arith.constant 0 : index
    %get3A_6 = arith.constant 0 : index
    %get3A_7 = vector.load %arg8[%get3A_5, %get3A_6] : memref<384x20800xbf16, #tpu.memory_space<vmem>>, vector<384x20800xbf16>
    %dot_general3A = arith.constant dense<0.000000e+00> : vector<384x128xf32>
    %dot_general3A_8 = tpu.matmul %get3A_7, %convert_element_type3A_4, %dot_general3A {dimension_numbers = #tpu.dot_dimension_numbers<[1], [1], [0], [0], [0, 0, 1, 0], [], []>, transpose_lhs_hint = false} : vector<384x20800xbf16>, vector<128x20800xbf16>, vector<384x128xf32> -> vector<384x128xf32>
    %get3A_9 = arith.constant 0 : index
    %get3A_10 = arith.constant 0 : index
    %get3A_11 = vector.load %arg6[%get3A_9, %get3A_10] : memref<1x128xf32, #tpu.memory_space<vmem>>, vector<1x128xf32>
    %add3A = vector.broadcast %get3A_11 : vector<1x128xf32> to vector<384x128xf32>
    %add3A_12 = arith.addf %dot_general3A_8, %add3A : vector<384x128xf32>
    %swap3A = arith.constant 0 : index
    %swap3A_13 = arith.constant 0 : index
    %swap3A_14 = vector.load %arg7[%swap3A, %swap3A_13] : memref<384x128xf32, #tpu.memory_space<vmem>>, vector<384x128xf32>
    tpu.vector_store %arg7[%swap3A, %swap3A_13], %add3A_12 {strides = array<i32>} : memref<384x128xf32, #tpu.memory_space<vmem>>, vector<384x128xf32>,
    return
  }
  func.func @transform_0(%arg0: i32) -> (i32, i32) {
    %c0_i32 = arith.constant 0 : i32
    %c0_i32_0 = arith.constant 0 : i32
    %c0_i32_1 = arith.constant 0 : i32
    return %c0_i32, %c0_i32_0 : i32, i32
  }
  func.func @transform_1(%arg0: i32) -> (i32, i32) {
    %c0_i32 = arith.constant 0 : i32
    %c0_i32_0 = arith.constant 0 : i32
    %c0_i32_1 = arith.constant 0 : i32
    return %c0_i32, %c0_i32_0 : i32, i32
  }
  func.func @transform_2(%arg0: i32) -> (i32, i32) {
    %c0_i32 = arith.constant 0 : i32
    %c0_i32_0 = arith.constant 0 : i32
    %c0_i32_1 = arith.constant 0 : i32
    return %c0_i32, %c0_i32_0 : i32, i32
  }
  func.func @transform_3(%arg0: i32) -> (i32, i32) {
    %c0_i32 = arith.constant 0 : i32
    %c0_i32_0 = arith.constant 0 : i32
    %c0_i32_1 = arith.constant 0 : i32
    return %c0_i32, %c0_i32_0 : i32, i32
  }
  func.func @transform_4(%arg0: i32) -> (i32, i32) {
    %c0_i32 = arith.constant 0 : i32
    %c0_i32_0 = arith.constant 0 : i32
    return %arg0, %c0_i32 : i32, i32
  }
  func.func @transform_5(%arg0: i32) -> (i32, i32) {
    %c0_i32 = arith.constant 0 : i32
    %c0_i32_0 = arith.constant 0 : i32
    return %c0_i32, %arg0 : i32, i32
  }
  func.func @transform_6(%arg0: i32) -> (i32, i32) {
    %c0_i32 = arith.constant 0 : i32
    %c0_i32_0 = arith.constant 0 : i32
    return %c0_i32, %arg0 : i32, i32
  }
}

module attributes {stable_mosaic.version = 14 : i64} {
  func.func @_tc2_body(%arg0: memref<384x2048xf32, #tpu.memory_space<vmem>>, %arg1: memref<2048x512xf32, #tpu.memory_space<vmem>>, %arg2: memref<1x2048xf32, #tpu.memory_space<vmem>>, %arg3: memref<2048x512xf32, #tpu.memory_space<vmem>>, %arg4: memref<2048x512xf32, #tpu.memory_space<vmem>>, %arg5: memref<1x2048xf32, #tpu.memory_space<vmem>>, %arg6: memref<3900x512xf32, #tpu.memory_space<vmem>>, %arg7: memref<1x3900xf32, #tpu.memory_space<vmem>>, %arg8: memref<32x3900xf32, #tpu.memory_space<vmem>>, %arg9: memref<32x512xf32, #tpu.memory_space<vmem>>, %arg10: memref<32x512xf32, #tpu.memory_space<vmem>>, %arg11: memref<32x512xf32, #tpu.memory_space<vmem>>, %arg12: memref<32x512xf32, #tpu.memory_space<vmem>>) attributes {dimension_semantics = [], scalar_prefetch = 0 : i64, scratch_operands = 4 : i64, tpu.core_type = #tpu.core_type<tc>} {
    %broadcast_in_dim3A = arith.constant 0.000000e+00 : f32
    %broadcast_in_dim3A_0 = vector.broadcast %broadcast_in_dim3A : f32 to vector<32x512xf32>
    %swap3A = arith.constant 0 : index
    %swap3A_1 = arith.constant 0 : index
    %swap3A_2 = vector.load %arg9[%swap3A, %swap3A_1] : memref<32x512xf32, #tpu.memory_space<vmem>>, vector<32x512xf32>
    tpu.vector_store %arg9[%swap3A, %swap3A_1], %broadcast_in_dim3A_0 {strides = array<i32>} : memref<32x512xf32, #tpu.memory_space<vmem>>, vector<32x512xf32>,
    %swap3A_3 = arith.constant 0 : index
    %swap3A_4 = arith.constant 0 : index
    %swap3A_5 = vector.load %arg10[%swap3A_3, %swap3A_4] : memref<32x512xf32, #tpu.memory_space<vmem>>, vector<32x512xf32>
    tpu.vector_store %arg10[%swap3A_3, %swap3A_4], %broadcast_in_dim3A_0 {strides = array<i32>} : memref<32x512xf32, #tpu.memory_space<vmem>>, vector<32x512xf32>,
    %swap3A_6 = arith.constant 0 : index
    %swap3A_7 = arith.constant 0 : index
    %swap3A_8 = vector.load %arg11[%swap3A_6, %swap3A_7] : memref<32x512xf32, #tpu.memory_space<vmem>>, vector<32x512xf32>
    tpu.vector_store %arg11[%swap3A_6, %swap3A_7], %broadcast_in_dim3A_0 {strides = array<i32>} : memref<32x512xf32, #tpu.memory_space<vmem>>, vector<32x512xf32>,
    %swap3A_9 = arith.constant 0 : index
    %swap3A_10 = arith.constant 0 : index
    %swap3A_11 = vector.load %arg12[%swap3A_9, %swap3A_10] : memref<32x512xf32, #tpu.memory_space<vmem>>, vector<32x512xf32>
    tpu.vector_store %arg12[%swap3A_9, %swap3A_10], %broadcast_in_dim3A_0 {strides = array<i32>} : memref<32x512xf32, #tpu.memory_space<vmem>>, vector<32x512xf32>,
    %scan3A = arith.constant 0 : i32
    %scan3A_12 = arith.constant 12 : i32
    %scan3A_13 = arith.addi %scan3A, %scan3A_12 : i32
    %scan3A_14 = arith.constant 1 : i32
    scf.for %scan3A_29 = %scan3A to %scan3A_13 step %scan3A_14  : i32 {
      %mul3A = arith.constant 32 : i32
      %mul3A_30 = arith.muli %scan3A_29, %mul3A : i32
      %get3A_31 = arith.index_cast %mul3A_30 : i32 to index
      %get3A_32 = arith.constant 0 : index
      %get3A_33 = vector.load %arg0[%get3A_31, %get3A_32] : memref<384x2048xf32, #tpu.memory_space<vmem>>, vector<32x2048xf32>
      %get3A_34 = arith.constant 0 : index
      %get3A_35 = arith.constant 0 : index
      %get3A_36 = vector.load %arg9[%get3A_34, %get3A_35] : memref<32x512xf32, #tpu.memory_space<vmem>>, vector<32x512xf32>
      %get3A_37 = arith.constant 0 : index
      %get3A_38 = arith.constant 0 : index
      %get3A_39 = vector.load %arg1[%get3A_37, %get3A_38] : memref<2048x512xf32, #tpu.memory_space<vmem>>, vector<2048x512xf32>
      %dot_general3A_40 = arith.constant dense<0.000000e+00> : vector<32x2048xf32>
      %dot_general3A_41 = tpu.matmul %get3A_36, %get3A_39, %dot_general3A_40 {dimension_numbers = #tpu.dot_dimension_numbers<[1], [1], [0], [0], [0, 0, 1, 0], [], []>, transpose_lhs_hint = false} : vector<32x512xf32>, vector<2048x512xf32>, vector<32x2048xf32> -> vector<32x2048xf32>
      %add3A_42 = arith.addf %get3A_33, %dot_general3A_41 : vector<32x2048xf32>
      %get3A_43 = arith.constant 0 : index
      %get3A_44 = arith.constant 0 : index
      %get3A_45 = vector.load %arg2[%get3A_43, %get3A_44] : memref<1x2048xf32, #tpu.memory_space<vmem>>, vector<1x2048xf32>
      %add3A_46 = vector.broadcast %get3A_45 : vector<1x2048xf32> to vector<32x2048xf32>
      %add3A_47 = arith.addf %add3A_42, %add3A_46 : vector<32x2048xf32>
      %slice3A = vector.extract_strided_slice %add3A_47 {offsets = [0, 0], sizes = [32, 512], strides = [1, 1]} : vector<32x2048xf32> to vector<32x512xf32>
      %logistic3A = arith.negf %slice3A : vector<32x512xf32>
      %logistic3A_48 = math.exp %logistic3A : vector<32x512xf32>
      %logistic3A_49 = arith.constant 1.000000e+00 : f32
      %logistic3A_50 = vector.broadcast %logistic3A_49 : f32 to vector<32x512xf32>
      %logistic3A_51 = arith.addf %logistic3A_50, %logistic3A_48 : vector<32x512xf32>
      %logistic3A_52 = arith.divf %logistic3A_50, %logistic3A_51 : vector<32x512xf32>
      %slice3A_53 = vector.extract_strided_slice %add3A_47 {offsets = [0, 512], sizes = [32, 512], strides = [1, 1]} : vector<32x2048xf32> to vector<32x512xf32>
      %logistic3A_54 = arith.negf %slice3A_53 : vector<32x512xf32>
      %logistic3A_55 = math.exp %logistic3A_54 : vector<32x512xf32>
      %logistic3A_56 = arith.constant 1.000000e+00 : f32
      %logistic3A_57 = vector.broadcast %logistic3A_56 : f32 to vector<32x512xf32>
      %logistic3A_58 = arith.addf %logistic3A_57, %logistic3A_55 : vector<32x512xf32>
      %logistic3A_59 = arith.divf %logistic3A_57, %logistic3A_58 : vector<32x512xf32>
      %slice3A_60 = vector.extract_strided_slice %add3A_47 {offsets = [0, 1024], sizes = [32, 512], strides = [1, 1]} : vector<32x2048xf32> to vector<32x512xf32>
      %tanh3A_61 = math.tanh %slice3A_60 : vector<32x512xf32>
      %slice3A_62 = vector.extract_strided_slice %add3A_47 {offsets = [0, 1536], sizes = [32, 512], strides = [1, 1]} : vector<32x2048xf32> to vector<32x512xf32>
      %logistic3A_63 = arith.negf %slice3A_62 : vector<32x512xf32>
      %logistic3A_64 = math.exp %logistic3A_63 : vector<32x512xf32>
      %logistic3A_65 = arith.constant 1.000000e+00 : f32
      %logistic3A_66 = vector.broadcast %logistic3A_65 : f32 to vector<32x512xf32>
      %logistic3A_67 = arith.addf %logistic3A_66, %logistic3A_64 : vector<32x512xf32>
      %logistic3A_68 = arith.divf %logistic3A_66, %logistic3A_67 : vector<32x512xf32>
      %get3A_69 = arith.constant 0 : index
      %get3A_70 = arith.constant 0 : index
      %get3A_71 = vector.load %arg10[%get3A_69, %get3A_70] : memref<32x512xf32, #tpu.memory_space<vmem>>, vector<32x512xf32>
      %mul3A_72 = arith.mulf %logistic3A_59, %get3A_71 : vector<32x512xf32>
      %mul3A_73 = arith.mulf %logistic3A_52, %tanh3A_61 : vector<32x512xf32>
      %add3A_74 = arith.addf %mul3A_72, %mul3A_73 : vector<32x512xf32>
      %tanh3A_75 = math.tanh %add3A_74 : vector<32x512xf32>
      %mul3A_76 = arith.mulf %logistic3A_68, %tanh3A_75 : vector<32x512xf32>
      %swap3A_77 = arith.constant 0 : index
      %swap3A_78 = arith.constant 0 : index
      %swap3A_79 = vector.load %arg10[%swap3A_77, %swap3A_78] : memref<32x512xf32, #tpu.memory_space<vmem>>, vector<32x512xf32>
      tpu.vector_store %arg10[%swap3A_77, %swap3A_78], %add3A_74 {strides = array<i32>} : memref<32x512xf32, #tpu.memory_space<vmem>>, vector<32x512xf32>,
      %swap3A_80 = arith.constant 0 : index
      %swap3A_81 = arith.constant 0 : index
      %swap3A_82 = vector.load %arg9[%swap3A_80, %swap3A_81] : memref<32x512xf32, #tpu.memory_space<vmem>>, vector<32x512xf32>
      tpu.vector_store %arg9[%swap3A_80, %swap3A_81], %mul3A_76 {strides = array<i32>} : memref<32x512xf32, #tpu.memory_space<vmem>>, vector<32x512xf32>,
      %get3A_83 = arith.constant 0 : index
      %get3A_84 = arith.constant 0 : index
      %get3A_85 = vector.load %arg3[%get3A_83, %get3A_84] : memref<2048x512xf32, #tpu.memory_space<vmem>>, vector<2048x512xf32>
      %dot_general3A_86 = arith.constant dense<0.000000e+00> : vector<32x2048xf32>
      %dot_general3A_87 = tpu.matmul %mul3A_76, %get3A_85, %dot_general3A_86 {dimension_numbers = #tpu.dot_dimension_numbers<[1], [1], [0], [0], [0, 0, 1, 0], [], []>, transpose_lhs_hint = false} : vector<32x512xf32>, vector<2048x512xf32>, vector<32x2048xf32> -> vector<32x2048xf32>
      %get3A_88 = arith.constant 0 : index
      %get3A_89 = arith.constant 0 : index
      %get3A_90 = vector.load %arg11[%get3A_88, %get3A_89] : memref<32x512xf32, #tpu.memory_space<vmem>>, vector<32x512xf32>
      %get3A_91 = arith.constant 0 : index
      %get3A_92 = arith.constant 0 : index
      %get3A_93 = vector.load %arg4[%get3A_91, %get3A_92] : memref<2048x512xf32, #tpu.memory_space<vmem>>, vector<2048x512xf32>
      %dot_general3A_94 = arith.constant dense<0.000000e+00> : vector<32x2048xf32>
      %dot_general3A_95 = tpu.matmul %get3A_90, %get3A_93, %dot_general3A_94 {dimension_numbers = #tpu.dot_dimension_numbers<[1], [1], [0], [0], [0, 0, 1, 0], [], []>, transpose_lhs_hint = false} : vector<32x512xf32>, vector<2048x512xf32>, vector<32x2048xf32> -> vector<32x2048xf32>
      %add3A_96 = arith.addf %dot_general3A_87, %dot_general3A_95 : vector<32x2048xf32>
      %get3A_97 = arith.constant 0 : index
      %get3A_98 = arith.constant 0 : index
      %get3A_99 = vector.load %arg5[%get3A_97, %get3A_98] : memref<1x2048xf32, #tpu.memory_space<vmem>>, vector<1x2048xf32>
      %add3A_100 = vector.broadcast %get3A_99 : vector<1x2048xf32> to vector<32x2048xf32>
      %add3A_101 = arith.addf %add3A_96, %add3A_100 : vector<32x2048xf32>
      %slice3A_102 = vector.extract_strided_slice %add3A_101 {offsets = [0, 0], sizes = [32, 512], strides = [1, 1]} : vector<32x2048xf32> to vector<32x512xf32>
      %logistic3A_103 = arith.negf %slice3A_102 : vector<32x512xf32>
      %logistic3A_104 = math.exp %logistic3A_103 : vector<32x512xf32>
      %logistic3A_105 = arith.constant 1.000000e+00 : f32
      %logistic3A_106 = vector.broadcast %logistic3A_105 : f32 to vector<32x512xf32>
      %logistic3A_107 = arith.addf %logistic3A_106, %logistic3A_104 : vector<32x512xf32>
      %logistic3A_108 = arith.divf %logistic3A_106, %logistic3A_107 : vector<32x512xf32>
      %slice3A_109 = vector.extract_strided_slice %add3A_101 {offsets = [0, 512], sizes = [32, 512], strides = [1, 1]} : vector<32x2048xf32> to vector<32x512xf32>
      %logistic3A_110 = arith.negf %slice3A_109 : vector<32x512xf32>
      %logistic3A_111 = math.exp %logistic3A_110 : vector<32x512xf32>
      %logistic3A_112 = arith.constant 1.000000e+00 : f32
      %logistic3A_113 = vector.broadcast %logistic3A_112 : f32 to vector<32x512xf32>
      %logistic3A_114 = arith.addf %logistic3A_113, %logistic3A_111 : vector<32x512xf32>
      %logistic3A_115 = arith.divf %logistic3A_113, %logistic3A_114 : vector<32x512xf32>
      %slice3A_116 = vector.extract_strided_slice %add3A_101 {offsets = [0, 1024], sizes = [32, 512], strides = [1, 1]} : vector<32x2048xf32> to vector<32x512xf32>
      %tanh3A_117 = math.tanh %slice3A_116 : vector<32x512xf32>
      %slice3A_118 = vector.extract_strided_slice %add3A_101 {offsets = [0, 1536], sizes = [32, 512], strides = [1, 1]} : vector<32x2048xf32> to vector<32x512xf32>
      %logistic3A_119 = arith.negf %slice3A_118 : vector<32x512xf32>
      %logistic3A_120 = math.exp %logistic3A_119 : vector<32x512xf32>
      %logistic3A_121 = arith.constant 1.000000e+00 : f32
      %logistic3A_122 = vector.broadcast %logistic3A_121 : f32 to vector<32x512xf32>
      %logistic3A_123 = arith.addf %logistic3A_122, %logistic3A_120 : vector<32x512xf32>
      %logistic3A_124 = arith.divf %logistic3A_122, %logistic3A_123 : vector<32x512xf32>
      %get3A_125 = arith.constant 0 : index
      %get3A_126 = arith.constant 0 : index
      %get3A_127 = vector.load %arg12[%get3A_125, %get3A_126] : memref<32x512xf32, #tpu.memory_space<vmem>>, vector<32x512xf32>
      %mul3A_128 = arith.mulf %logistic3A_115, %get3A_127 : vector<32x512xf32>
      %mul3A_129 = arith.mulf %logistic3A_108, %tanh3A_117 : vector<32x512xf32>
      %add3A_130 = arith.addf %mul3A_128, %mul3A_129 : vector<32x512xf32>
      %swap3A_131 = arith.constant 0 : index
      %swap3A_132 = arith.constant 0 : index
      %swap3A_133 = vector.load %arg12[%swap3A_131, %swap3A_132] : memref<32x512xf32, #tpu.memory_space<vmem>>, vector<32x512xf32>
      tpu.vector_store %arg12[%swap3A_131, %swap3A_132], %add3A_130 {strides = array<i32>} : memref<32x512xf32, #tpu.memory_space<vmem>>, vector<32x512xf32>,
      %tanh3A_134 = math.tanh %add3A_130 : vector<32x512xf32>
      %mul3A_135 = arith.mulf %logistic3A_124, %tanh3A_134 : vector<32x512xf32>
      %swap3A_136 = arith.constant 0 : index
      %swap3A_137 = arith.constant 0 : index
      %swap3A_138 = vector.load %arg11[%swap3A_136, %swap3A_137] : memref<32x512xf32, #tpu.memory_space<vmem>>, vector<32x512xf32>
      tpu.vector_store %arg11[%swap3A_136, %swap3A_137], %mul3A_135 {strides = array<i32>} : memref<32x512xf32, #tpu.memory_space<vmem>>, vector<32x512xf32>,
    }
    %scan3A_15 = arith.constant 12 : i32
    %get3A = arith.constant 0 : index
    %get3A_16 = arith.constant 0 : index
    %get3A_17 = vector.load %arg11[%get3A, %get3A_16] : memref<32x512xf32, #tpu.memory_space<vmem>>, vector<32x512xf32>
    %tanh3A = math.tanh %get3A_17 : vector<32x512xf32>
    %get3A_18 = arith.constant 0 : index
    %get3A_19 = arith.constant 0 : index
    %get3A_20 = vector.load %arg6[%get3A_18, %get3A_19] : memref<3900x512xf32, #tpu.memory_space<vmem>>, vector<3900x512xf32>
    %dot_general3A = arith.constant dense<0.000000e+00> : vector<32x3900xf32>
    %dot_general3A_21 = tpu.matmul %tanh3A, %get3A_20, %dot_general3A {dimension_numbers = #tpu.dot_dimension_numbers<[1], [1], [0], [0], [0, 0, 1, 0], [], []>, transpose_lhs_hint = false} : vector<32x512xf32>, vector<3900x512xf32>, vector<32x3900xf32> -> vector<32x3900xf32>
    %get3A_22 = arith.constant 0 : index
    %get3A_23 = arith.constant 0 : index
    %get3A_24 = vector.load %arg7[%get3A_22, %get3A_23] : memref<1x3900xf32, #tpu.memory_space<vmem>>, vector<1x3900xf32>
    %add3A = vector.broadcast %get3A_24 : vector<1x3900xf32> to vector<32x3900xf32>
    %add3A_25 = arith.addf %dot_general3A_21, %add3A : vector<32x3900xf32>
    %swap3A_26 = arith.constant 0 : index
    %swap3A_27 = arith.constant 0 : index
    %swap3A_28 = vector.load %arg8[%swap3A_26, %swap3A_27] : memref<32x3900xf32, #tpu.memory_space<vmem>>, vector<32x3900xf32>
    tpu.vector_store %arg8[%swap3A_26, %swap3A_27], %add3A_25 {strides = array<i32>} : memref<32x3900xf32, #tpu.memory_space<vmem>>, vector<32x3900xf32>,
    return
  }
}

</mosaic_0001>

<sc_bundles>
// kernel: kernel.5.cloned.1.call-start
scs
__scs_entry_jumppad:
0x0: {  	(pc) =	sbr.rel $0x88, $3  }
0x1: {  	(tag) =	ssettag $0x0;
	lr =	simm.s32 $0x1  }
0x2: {  	[smem:$0x3F92] =	sst lr;
	_ =	strace $0xD0000000  }
0x3: {  	_ = 	snop  }
0x4: {  	_ = 	snop  }
0x5: {  	_ = 	snop  }
0x6: {  	_ = 	snop  }
0x7: {  	_ = 	snop  }
__scs_overlays_trampoline_lowered:
0x8: {  	[smem:$0x3FA1] =	sst s0  }
0x9: {  	[smem:$0x3FA2] =	sst s1  }
0xa: {  	[smem:$0x3FA3] =	sst s2  }
0xb: {  	[smem:$0x3FA4] =	sst s3  }
0xc: {  	[smem:$0x3FA5] =	sst s4  }
0xd: {  	[smem:$0x3FA6] =	sst s5  }
0xe: {  	[smem:$0x3FA7] =	sst s6  }
0xf: {  	[smem:$0x3FA8] =	sst s7  }
0x10: {  	[smem:$0x3FA9] =	sst s8  }
0x11: {  	[smem:$0x3FAA] =	sst s9;
	s0 =	simm.s32 @!p0 $0x0  }
0x12: {  	s1 =	sld [smem:$0x3F90];
	s0 =	simm.s32 @p0 $0x1  }
0x13: {  	[smem:$0x3FAB] =	sst s0;
	s0 =	simm.s32 @!p1 $0x0  }
0x14: {  	s2 =	sld [smem:$0x3F8F];
	s0 =	simm.s32 @p1 $0x1  }
0x15: {  	[smem:$0x3FAC] =	sst s0;
	s0 =	simm.s32 @!p2 $0x0  }
0x16: {  	s3 =	sld [smem:$0x3FDB];
	s0 =	simm.s32 @p2 $0x1  }
0x17: {  	s4 =	simm.s32 $0x1BF5;
	[smem:$0x3FAE] =	sst s0  }
0x18: {  	s0 =	sld [smem:$0x3F91];
	_ =	swait.ge [sflag:s4], $0x0  }
0x19: {  	s7 =	sld [smem:$0x3F92]  }
0x1a: {  	s8 =	sadd.s32 $0xFFFFE003, lr  }
0x1b: {  	s9 =	sadd.s32 $0xFFFFFEF7, lr;
	s5 =	simm.s32 $0xFFFFFFFF;
	p2 =	slt.u32 s8, $0xFFFFF086  }
0x1c: {  	p1 =	slt.u32 s9, $0xF7A;
	s5 =	simm.s32 @!p2 $0x0  }
0x1d: {  	s5 =	simm.s32 @p1 $0x1;
	p0 =	seq.s32 s7, s2  }
0x1e: {  	s7 =	smul.u32 @!p0 $0xF7A, s2;
	p2 =	seq.s32 @!p0 s5, $0x0  }
0x1f: {  	s9 =	smul.u32 $0xF7A, s1;
	s8 =	simm.s32 @!p0 $0x1BF5;
	p2 =	por !p2, p0  }
0x20: {  	[sflag:s8] =	ssyncset.s32 @!p0 $0xFFFFF086;
	s6 =	sadd.s32 @!p0 s3, s7;
	s7 =	simm.s32 @!p0 $0x108  }
0x21: {  	s3 =	sadd.s32 s3, s9;
	s6 =	sadd.s32 @!p0 $0x88, s6;
	s7 =	simm.s32 @p2 $0x1082  }
0x22: {  	[simem:s7], [sflag:s8] =	dma.local @!p0 [hbm:s6], $0xF7A  }
0x23: {  	s9 =	sor.u32 $0xD0000000, s2;
	s6 =	simm.s32 $0x108;
	_ =	swait.ge @!p0 [sflag:s8], $0x0  }
0x24: {  	s3 =	sadd.s32 $0x88, s3;
	s6 =	simm.s32 @!p1 $0x1082;
	[sflag:s4] =	ssyncset.s32 $0xFFFFF086  }
0x25: {  	[simem:s6], [sflag:s4] =	dma.local [hbm:s3], $0xF7A  }
0x26: {  	[smem:$0x3F92] =	sst s1;
	(tag) =	ssettag s2;
	_ =	strace s9  }
0x27: {  	s1 =	sld [smem:$0x3FA2]  }
0x28: {  	s2 =	sld [smem:$0x3FA3]  }
0x29: {  	s4 =	sld [smem:$0x3FA5]  }
0x2a: {  	p0 =	seq.s32 s5, $0x0;
	s5 =	sld [smem:$0x3FA6]  }
0x2b: {  	s6 =	sld [smem:$0x3FA7]  }
0x2c: {  	s7 =	sld [smem:$0x3FA8]  }
0x2d: {  	s3 =	simm.s32 $0x108;
	s8 =	sld [smem:$0x3FA9]  }
0x2e: {  	s3 =	simm.s32 @!p0 $0x1082;
	s9 =	sld [smem:$0x3FAA]  }
0x2f: {  	lr =	sadd.s32 s0, s3;
	s0 =	sld [smem:$0x3FA1]  }
0x30: {  	s3 =	sld [smem:$0x3FA4]  }
0x31: {  	[smem:$0x3FAD] =	sst s10  }
0x32: {  	s10 =	sld [smem:$0x3FAB];
	_ =	sdelay $0x3  }
0x33: {  	p0 =	seq.s32 s10, $0x1;
	s10 =	sld [smem:$0x3FAD];
	_ =	sdelay $0x3  }
0x34: {  	[smem:$0x3FAD] =	sst s10  }
0x35: {  	s10 =	sld [smem:$0x3FAC];
	_ =	sdelay $0x3  }
0x36: {  	p1 =	seq.s32 s10, $0x1;
	s10 =	sld [smem:$0x3FAD];
	_ =	sdelay $0x3  }
0x37: {  	[smem:$0x3FAD] =	sst s10  }
0x38: {  	s10 =	sld [smem:$0x3FAE]  }
0x39: {  	_ = 	snop;
	(pc) =	sbr.ind lr, $3  }
0x3a: {  	_ = 	snop  }
0x3b: {  	_ = 	snop  }
0x3c: {  	p2 =	seq.s32 s10, $0x1;
	s10 =	sld [smem:$0x3FAD]  }
0x3d: {  	_ =	shalt  }
0x3e: {  	_ =	shalt  }
0x3f: {  	_ =	shalt  }
0x40: {  	_ =	shalt  }
0x41: {  	_ =	shalt  }
0x42: {  	_ =	shalt  }
0x43: {  	_ =	shalt  }
0x44: {  	_ =	shalt  }
0x45: {  	_ =	shalt  }
0x46: {  	_ =	shalt  }
0x47: {  	_ =	shalt  }
0x48: {  	_ =	shalt  }
0x49: {  	_ =	shalt  }
0x4a: {  	_ =	shalt  }
0x4b: {  	_ =	shalt  }
0x4c: {  	_ =	shalt  }
0x4d: {  	_ =	shalt  }
0x4e: {  	_ =	shalt  }
0x4f: {  	_ =	shalt  }
0x50: {  	_ =	shalt  }
0x51: {  	_ =	shalt  }
0x52: {  	_ =	shalt  }
0x53: {  	_ =	shalt  }
0x54: {  	_ =	shalt  }
0x55: {  	_ =	shalt  }
0x56: {  	_ =	shalt  }
0x57: {  	_ =	shalt  }
0x58: {  	_ =	shalt  }
0x59: {  	_ =	shalt  }
0x5a: {  	_ =	shalt  }
0x5b: {  	_ =	shalt  }
0x5c: {  	_ =	shalt  }
0x5d: {  	_ =	shalt  }
0x5e: {  	_ =	shalt  }
0x5f: {  	_ =	shalt  }
0x60: {  	_ =	shalt  }
0x61: {  	_ =	shalt  }
0x62: {  	_ =	shalt  }
0x63: {  	_ =	shalt  }
0x64: {  	_ =	shalt  }
0x65: {  	_ =	shalt  }
0x66: {  	_ =	shalt  }
0x67: {  	_ =	shalt  }
0x68: {  	_ =	shalt  }
0x69: {  	_ =	shalt  }
0x6a: {  	_ =	shalt  }
0x6b: {  	_ =	shalt  }
0x6c: {  	_ =	shalt  }
0x6d: {  	_ =	shalt  }
0x6e: {  	_ =	shalt  }
0x6f: {  	_ =	shalt  }
0x70: {  	_ =	shalt  }
0x71: {  	_ =	shalt  }
0x72: {  	_ =	shalt  }
0x73: {  	_ =	shalt  }
0x74: {  	_ =	shalt  }
0x75: {  	_ =	shalt  }
0x76: {  	_ =	shalt  }
0x77: {  	_ =	shalt  }
0x78: {  	_ =	shalt  }
0x79: {  	_ =	shalt  }
0x7a: {  	_ =	shalt  }
0x7b: {  	_ =	shalt  }
0x7c: {  	_ =	shalt  }
0x7d: {  	_ =	shalt  }
0x7e: {  	_ =	shalt  }
0x7f: {  	_ =	shalt  }
0x80: {  	_ =	shalt  }
0x81: {  	_ =	shalt  }
0x82: {  	_ =	shalt  }
0x83: {  	_ =	shalt  }
0x84: {  	_ =	shalt  }
0x85: {  	_ =	shalt  }
0x86: {  	_ =	shalt  }
0x87: {  	_ =	shalt  }
.Lfunc_end0:
.L_simem_size_0:
called_computation_lowered:
.L_overlay_start_0:
0x88: {  	s2 =	sld [smem:$0x3FD9]  }
0x89: {  	s3 =	sld [smem:$0x3FFE];
	_ =	sdelay $0x1  }
0x8a: {  	s1 =	srdreg.scid  }
0x8b: {  	s0 =	sand.u32 $0x1, s1  }
0x8c: {  	s17 =	sshll.u32 s0, $0xA;
	s2 =	sadd.s32 s3, s2  }
0x8d: {  	s2 =	sadd.s32 s2, s17  }
0x8e: {  	[smem:$0x3FB9] =	sst s2  }
0x8f: {  	_ = 	snop  }
0x90: {  	s2 =	sld [smem:$0x3FD0];
	(tm) =	ssettm $0x1  }
0x91: {  	s18 =	sld [smem:$0x3FFB];
	_ =	sdelay $0x3  }
0x92: {  	_ =	strace s18  }
0x93: {  	s3 =	sld [smem:$0x3FFC];
	_ =	sdelay $0x3  }
0x94: {  	_ =	strace s3  }
0x95: {  	s3 =	sld [smem:$0x3FFD];
	_ =	sdelay $0x3  }
0x96: {  	_ =	strace s3  }
0x97: {  	_ =	strace $0x8FFFFFFF  }
0x98: {  	s19 =	sld [smem:$0x3FDB];
	_ =	sdelay $0x1  }
0x99: {  	s4 =	simm.s32 $_scs_section_size  }
0x9a: {  	s5 =	simm.s32 $_size__tile_overlayer_lowered;
	s6 =	simm.s32 $_tile_overlayer_lowered  }
0x9b: {  	s22 =	simm.s32 $0x1BFF;
	s21 =	sshll.u32 s6, $0x1;
	s3 =	sadd.s32 s4, s19  }
0x9c: {  	s7 =	simm.s32 $0x0;
	s20 =	sshll.u32 s5, $0x1;
	s5 =	sadd.s32 s21, s3  }
0x9d: {  	[timem:s7], [sflag:s22] =	dma.local [hbm:s5], s20  }
0x9e: {  	_ =	swait.ge [sflag:s22], s20  }
0x9f: {  	s4 =	ssub.s32 $0x0, s20;
	[sflag:s22] =	ssyncset.done $0x0  }
0xa0: {  	[sflag:s22] =	ssyncadd.s32 s4;
	_ =	sdelay $0x1  }
0xa1: {  	s23 =	simm.s32 $0x1B8B  }
0xa2: {  	_ =	swait.ge [sflag:s23], $0x1  }
0xa3: {  	[sflag:s23] =	ssyncset.done $0x0  }
0xa4: {  	s25 =	simm.s32 $0x1B8E;
	s24 =	sld [smem:$0x3FFE];
	[sflag:s23] =	ssyncadd.s32 $0xFFFFFFFF  }
0xa5: {  	s26 =	simm.s32 $execute0_lowered;
	[smem:$0x3FD2] =	sst s25  }
0xa6: {  	s5 =	sshll.u32 s26, $0x1;
	_ =	strace $0x80000046;
	[dreg:$0x1] =	wrdreg $0xFFFFFFFF  }
0xa7: {  	s28 =	simm.s32 $_size_execute0_lowered;
	s3 =	sadd.s32 s3, s5;
	[dreg:$0x0] =	wrdreg $0x0  }
0xa8: {  	s5 =	sshll.u32 s28, $0x1;
	[dreg:$0x2] =	wrdreg s3  }
0xa9: {  	[dreg:$0x3] =	wrdreg s5  }
0xaa: {  	[dreg:$0x4] =	wrdreg $0xC0  }
0xab: {  	_ =	task [dreg:s7], $0x5FFFF  }
0xac: {  	[dreg:$0x1] =	wrdreg $0xFFFFFFFF  }
0xad: {  	[dreg:$0x0] =	wrdreg $0x60  }
0xae: {  	[dreg:$0x2] =	wrdreg s2  }
0xaf: {  	[dreg:$0x3] =	wrdreg s24  }
0xb0: {  	[dreg:$0x4] =	wrdreg $0x9  }
0xb1: {  	_ =	task.clear_ibuf [dreg:s7], $0x5FFFF;
	_ =	strace $0x90000046  }
0xb2: {  	s29 =	simm.s32 $0x9;
	_ =	strace $0x80000048  }
0xb3: {  	_ =	swait.ge [sflag:s29], $0x1  }
0xb4: {  	[sflag:s29] =	ssyncadd.s32 $0xFFFFFFFF  }
0xb5: {  	_ =	strace $0x90000048  }
0xb6: {  	_ =	sfence  }
0xb7: {  	s30 =	sld [smem:$0x0];
	_ =	sdelay $0x2  }
0xb8: {  	s31 =	sshll.u32 s1, $0xD;
	s1 =	sshrl.u32 s1, $0x2  }
0xb9: {  	s3 =	sand.u32 $0x4000, s31;
	s1 =	sadd.s32 s1, s30  }
0xba: {  	s0 =	sor.u32 s3, s0;
	s1 =	sshll.u32 s1, $0x11  }
0xbb: {  	s0 =	sor.u32 s1, s0  }
0xbc: {  	s0 =	sadd.s32 $0x8F2B, s0  }
0xbd: {  	[sflag:s0] =	ssyncadd.remote.s32 $0x1  }
0xbe: {  	_ =	sfence.sel $0xFFFF  }
0xbf: {  	[dreg:$0x0] =	wrdreg $0xFFFFFFFF;
	(pc) =	sbr.abs _section_cstart, $3  }
0xc0: {  	[dreg:$0x1] =	wrdreg $0xFFFFFFFF  }
0xc1: {  	_ =	task.clear_ibuf [dreg:s7], $0x2FFFF;
	_ =	strace $0x9FFFFFFF  }
0xc2: {  	(tm) =	ssettm $0x7FFFFFFF  }
0xc3: {  	_ =	shalt  }
tec
execute0_lowered:
.L_overlay_start_1:
0x0: {  	(tag) =	ssettag $0x1  }
0x1: {  	s1 =	srdreg.scid;
	s4 =	rddreg [dreg:$0x0]  }
0x2: {  	s0 =	stileid.u32;
	s6 =	rddreg [dreg:$0x1]  }
0x3: {  	s2 =	simm.s32 $0x0;
	s14 =	simm.s32 $0x18D80;
	s15 =	simm.s32 $0x0  }
0x4: {  	s5 =	sand.u32 $0x1, s1;
	s30 =	sshll.u32 s0, $0x1;
	s10 =	smul.u32 $0x54, s0  }
0x5: {  	s1 =	rddreg [dreg:$0x2];
	s3 =	sor.u32 s5, s30;
	s13 =	smul.u32 $0x2A, s5  }
0x6: {  	[smem:$0x7FF] =	sst s2;
	s11 =	ssub.s32 $0x2, s5;
	s7 =	smul.u32 $0x1E78, s3  }
0x7: {  	_ =	strace $0x80000047;
	s8 =	smul.u32 $0xF3C, s3;
	s12 =	sshrl.u32 s11, $0x1  }
0x8: {  	s3 =	sshll.u32 s5, $0x2;
	s10 =	sadd.s32 s10, s6;
	s11 =	ssub.s32 s11, s12  }
0x9: {  	s31 =	sadd.s32 s13, s10;
	s10 =	simm.s32 $0x1;
	s12 =	simm.s32 $0x10380  }
0xa: {  	s7 =	sadd.s32 s7, s6;
	s9 =	sadd.s32 s8, s6;
	s8 =	ssub.s32 s8, s3  }
0xb: {  	s13 =	simm.s32 $0x17D80;
	s8 =	sshrl.u32 s8, $0x3;
	s5 =	sadd.s32 $0x20C00, s7  }
0xc: {  	s6 =	sadd.s32 $0x2400, s9;
	s7 =	smax.u32 s11, $0x1;
	s9 =	sadd.s32 $0x61C00, s31  }
0xd: {  	v0 =	vimm.f32 $0.0e+00;
	s11 =	simm.s32 $0xF80;
	s4 =	sadd.s32 s4, s8;
	s8 =	sadd.s32 $0x5DC00, s31  }
.LBB2_1:
0xe: {  	[tilespmem:s2], [sflag:$0x1] =	stream.linear.gather [hbm4b:s4+s2], $0xF40, $0x38;
	[tilespmem:$0x19D80] =	vst v63  }
0xf: {  	_ =	swait.ge [sflag:s10], $0xF40  }
0x10: {  	[sflag:s10] =	ssyncset.done $0x0  }
0x11: {  	[sflag:s10] =	ssyncadd.s32 $0xFFFFF0C0  }
0x12: {  	[tilespmem:s11], [sflag:$0x1] =	stream.linear.gather [hbm4b:s5+s2], $0xF3C0, $0x38;
	[tilespmem:$0x19D80] =	vst v63  }
0x13: {  	_ =	swait.ge [sflag:s10], $0xF3C0  }
0x14: {  	[sflag:s10] =	ssyncset.done $0x0  }
0x15: {  	[sflag:s10] =	ssyncadd.s32 $0xFFFF0C40  }
0x16: {  	[tilespmem:s12], [sflag:$0x1] =	stream.linear.gather [hbm4b:s6+s2], $0x79E0, $0x38;
	[tilespmem:$0x19D80] =	vst v63  }
0x17: {  	_ =	swait.ge [sflag:s10], $0x79E0  }
0x18: {  	[sflag:s10] =	ssyncset.done $0x0  }
0x19: {  	s16 =	simm.s32 $0x0;
	[sflag:s10] =	ssyncadd.s32 $0xFFFF8620  }
.LBB2_2:
0x1a: {  	p0 =	sne.s32 s16, $0x3EC0  }
.Ltmp0:
0x1b: {  	_ = 	snop;
	(pc) =	sbr.rel @p0 .LBB2_2-.Ltmp0, $4  }
0x1c: {  	_ = 	snop  }
0x1d: {  	s17 =	sshra.s32 s16, $0x2  }
0x1e: {  	[tilespmem:s17+$0x17D80] =	vst v0  }
0x1f: {  	s16 =	sadd.s32 $0x40, s16;
	[tilespmem:s17+$0x18D80] =	vst v0  }
0x20: {  	s16 =	simm.s32 $0x0;
	s17 =	simm.s32 $0x10380;
	s18 =	simm.s32 $0xF80  }
.LBB2_4:
0x21: {  	s20 =	smul.u32 $0x150, s16;
	v3 =	vmov s18  }
0x22: {  	s19 =	smul.u32 $0x145, s16  }
0x23: {  	s21 =	smul.u32 $0x5140, s16  }
0x24: {  	s23 =	smul.u32 $0x28A0, s16  }
0x25: {  	s22 =	simm.s32 $0x0;
	s24 =	sadd.s32 s3, s19  }
0x26: {  	v4 =	vmov s17;
	s19 =	sshra.s32 s21, $0x2;
	v1 =	vmov s20;
	s20 =	sshra.s32 s23, $0x2;
	s21 =	simm.s32 $0x40;
	v2 =	vmov s24;
	v5 =	vld.idx.msk [tilespmem:v3+s22+$0x0 ss:$0x1], $0xffff  }
.LBB2_5:
0x27: {  	p0 =	sne.s32 s21, $0x2840;
	_ =	sdelay $0x4  }
0x28: {  	v5 =	vadd.s32 v2, v5;
	_ =	sdelay $0x1  }
0x29: {  	v6 =	vld.idx.msk [tilespmem:v3+s22+$0xA28 ss:$0x1], $0xffff;
	_ =	sdelay $0x1  }
0x2a: {  	v7 =	vld.idx.msk [tilespmem:v4+s22+$0x0 ss:$0x1], $0xffff  }
0x2b: {  	v5 =	vld.idx.msk [tilespmem:v5+s2+$0x0], $0xffff;
	_ =	sdelay $0x2  }
0x2c: {  	v6 =	vadd.s32 v1, v6;
	_ =	sdelay $0x2  }
.Ltmp1:
0x2d: {  	v5 =	vmul.f32 v5, v7;
	(pc) =	sbr.rel @p0 .LBB2_5-.Ltmp1, $4  }
0x2e: {  	_ = 	snop  }
0x2f: {  	[tilespmem:v6+s13+$0x0] =	vst.idx.add.f32.msk $0xffff, v5  }
0x30: {  	s22 =	sshra.s32 s21, $0x2;
	[tilespmem:v6+s14+$0x0] =	vst.idx.add.f32.msk $0xffff, v7  }
0x31: {  	s21 =	sadd.s32 $0x40, s21;
	v5 =	vld.idx.msk [tilespmem:v3+s22+$0x0 ss:$0x1], $0xffff  }
0x32: {  	_ =	sdelay $0x3  }
0x33: {  	v5 =	vadd.s32 v2, v5;
	_ =	sdelay $0x1  }
0x34: {  	v3 =	vld.idx.msk [tilespmem:v3+s22+$0xA28 ss:$0x1], $0xffff;
	_ =	sdelay $0x1  }
0x35: {  	v4 =	vld.idx.msk [tilespmem:v4+s22+$0x0 ss:$0x1], $0xffff  }
0x36: {  	v5 =	vld.idx.msk [tilespmem:v5+s2+$0x0], $0xffff;
	_ =	sdelay $0x1  }
0x37: {  	v3 =	vadd.s32 v1, v3;
	_ =	sdelay $0x2  }
0x38: {  	v5 =	vmul.f32 v5, v4;
	_ =	sdelay $0x1  }
0x39: {  	[tilespmem:v3+s13+$0x0] =	vst.idx.add.f32.msk $0xffff, v5  }
0x3a: {  	[tilespmem:v3+s14+$0x0] =	vst.idx.add.f32.msk $0xffff, v4  }
0x3b: {  	v3 =	vld [tilespmem:s19+$0x19A0];
	_ =	sdelay $0x4  }
0x3c: {  	v2 =	vadd.s32 v2, v3;
	_ =	sdelay $0x1  }
0x3d: {  	v3 =	vld [tilespmem:s19+$0x23C8];
	_ =	sdelay $0x1  }
0x3e: {  	s31 =	simm.s32 $0x0;
	v4 =	vld [tilespmem:s20+$0x10DA0]  }
0x3f: {  	v2 =	vld.idx.msk [tilespmem:v2+s31+$0x0], $0xff;
	_ =	sdelay $0x1  }
0x40: {  	s16 =	sadd.s32 $0x1, s16;
	v1 =	vadd.s32 v1, v3  }
0x41: {  	p0 =	sne.s32 s16, $0xC  }
.Ltmp2:
0x42: {  	_ = 	snop;
	(pc) =	sbr.rel @p0 .LBB2_4-.Ltmp2, $3  }
0x43: {  	v2 =	vmul.f32 v2, v4;
	_ =	sdelay $0x1  }
0x44: {  	[tilespmem:v1+s13+$0x0] =	vst.idx.add.f32.msk $0xff, v2  }
0x45: {  	s17 =	sadd.s32 $0xA28, s17;
	s18 =	sadd.s32 $0x1450, s18;
	[tilespmem:v1+s14+$0x0] =	vst.idx.add.f32.msk $0xff, v4  }
0x46: {  	s16 =	sadd.s32 $0x0, s8;
	s17 =	simm.s32 $0x17D80  }
0x47: {  	[hbm4b:s16+s2] =	stream.linear.scatter [tilespmem:s17], [sflag:$0x1], $0x150, $0x38;
	[tilespmem:$0x19D80] =	vst v63  }
0x48: {  	_ =	swait.ge [sflag:s10], $0x150  }
0x49: {  	[sflag:s10] =	ssyncset.done $0x0  }
0x4a: {  	s30 =	sadd.s32 $0x0, s9;
	s31 =	simm.s32 $0x18D80;
	[sflag:s10] =	ssyncadd.s32 $0xFFFFFEB0  }
0x4b: {  	[hbm4b:s30+s2] =	stream.linear.scatter [tilespmem:s31], [sflag:$0x1], $0x150, $0x38;
	[tilespmem:$0x19D80] =	vst v63  }
0x4c: {  	s19 =	sadd.s32 $0x540, s8;
	s18 =	simm.s32 $0xA80;
	_ =	swait.ge [sflag:s10], $0x150  }
0x4d: {  	s16 =	simm.s32 $0x540;
	s17 =	simm.s32 $0x150;
	[sflag:s10] =	ssyncset.done $0x0  }
.LBB2_8:
0x4e: {  	s20 =	sadd.s32 s18, s8  }
0x4f: {  	s21 =	sadd.s32 $0x17D80, s17;
	[sflag:s10] =	ssyncadd.s32 $0xFFFFFEB0;
	s22 =	smov.u32 s18  }
0x50: {  	[hbm4b:s19+s2] =	stream.linear.scatter [tilespmem:s21], [sflag:$0x1], $0x150, $0x38;
	[tilespmem:$0x19D80] =	vst v63  }
0x51: {  	p0 =	sne.s32 s18, $0x39C0;
	s18 =	sadd.s32 $0x540, s18;
	_ =	swait.ge [sflag:s10], $0x150  }
.Ltmp3:
0x52: {  	s19 =	smov.u32 s20;
	[sflag:s10] =	ssyncset.done $0x0;
	(pc) =	sbr.rel @p0 .LBB2_8-.Ltmp3, $4  }
0x53: {  	s16 =	sadd.s32 s16, s9;
	s17 =	sadd.s32 $0x18D80, s17;
	[sflag:s10] =	ssyncadd.s32 $0xFFFFFEB0  }
0x54: {  	[hbm4b:s16+s2] =	stream.linear.scatter [tilespmem:s17], [sflag:$0x1], $0x150, $0x38;
	[tilespmem:$0x19D80] =	vst v63  }
0x55: {  	s16 =	smov.u32 s22;
	_ =	swait.ge [sflag:s10], $0x150  }
0x56: {  	s17 =	sshra.s32 s16, $0x2;
	[sflag:s10] =	ssyncset.done $0x0  }
0x57: {  	s18 =	sadd.s32 $0x17D80, s17;
	[sflag:s10] =	ssyncadd.s32 $0xFFFFFEB0  }
0x58: {  	[hbm4b:s19+s2] =	stream.linear.scatter [tilespmem:s18], [sflag:$0x1], $0x150, $0x38;
	[tilespmem:$0x19D80] =	vst v63  }
0x59: {  	s15 =	sadd.s32 $0x1, s15;
	_ =	swait.ge [sflag:s10], $0x150  }
0x5a: {  	s16 =	sadd.s32 s16, s9;
	p0 =	sne.s32 s15, s7;
	[sflag:s10] =	ssyncset.done $0x0  }
.Ltmp4:
0x5b: {  	s31 =	sadd.s32 $0x18D80, s17;
	[sflag:s10] =	ssyncadd.s32 $0xFFFFFEB0;
	(pc) =	sbr.rel @p0 .LBB2_1-.Ltmp4, $4  }
0x5c: {  	[hbm4b:s16+s2] =	stream.linear.scatter [tilespmem:s31], [sflag:$0x1], $0x150, $0x38;
	[tilespmem:$0x19D80] =	vst v63  }
0x5d: {  	_ =	swait.ge [sflag:s10], $0x150  }
0x5e: {  	[sflag:s10] =	ssyncset.done $0x0  }
0x5f: {  	[sflag:s10] =	ssyncadd.s32 $0xFFFFFEB0  }
0x60: {  	_ =	sfence.sel $0x180000  }
0x61: {  	[bflag:$0x0] =	sbarrier.arrive $0xFFFF  }
0x62: {  	p0 =	sne.s32 s0, $0x0;
	_ =	strace $0x90000047  }
0x63: {  	s0 =	sadd.s32 @!p0 $0x100000, s1;
	[bflag:$0x2] =	sbarrier.arrive $0xFFFF  }
0x64: {  	[sflag:s0] =	ssyncadd.tile.s32 @!p0 $0x1;
	_ =	shalt  }
.Lfunc_end2:
_tile_overlayer_lowered:
.L_overlay_start_2:
0x65: {  	(tag) =	ssettag $0x2  }
0x66: {  	s0 =	rddreg [dreg:$0x0];
	s2 =	stileid.u32  }
0x67: {  	s1 =	rddreg [dreg:$0x1];
	p0 =	sne.s32 s2, $0x0  }
0x68: {  	s3 =	rddreg [dreg:$0x2];
	[bflag:$0x3] =	sbarrier.arrive $0xFFFF;
	s2 =	simm.s32 @!p0 $0x1C01  }
0x69: {  	[timem:s3], [sflag:s2] =	dma.local @!p0 [hbm:s0], s1  }
0x6a: {  	s0 =	simm.s32 @!p0 $0x1  }
0x6b: {  	_ =	swait.ge @!p0 [sflag:s0], s1  }
0x6c: {  	s1 =	ssub.s32 @!p0 $0x0, s1;
	[sflag:s0] =	ssyncset.done @!p0 $0x0  }
0x6d: {  	[sflag:s0] =	ssyncadd.s32 @!p0 s1  }
0x6e: {  	[bflag:$0x3] =	sbarrier.arrive $0xFFFF  }
0x6f: {  	_ =	shalt  }

</sc_bundles>
